<compile_context>
chip_gen: v7x
topology: tpu7x:2x2x1
jax: 0.10.2.dev20260603
libtpu: 0.0.44.dev20260713+nightly
codegen_flags: <defaults>
</compile_context>

<pallas_src>
import functools

import jax
import jax.numpy as jnp
from jax import lax
from jax.experimental import pallas as pl
from jax.experimental.pallas import tpu as pltpu
from jax.experimental.pallas import tpu_sc as plsc

N_FEATURES = 26
VOCAB = 100000
EMBED_DIM = 32
BATCH = 16384
IN_DIM = N_FEATURES * EMBED_DIM
H0, H1 = 512, 256

NC, NS = 2, 16
NW = NC * NS
RPW = IN_DIM // NW
OUT_CH = 4096
N_CH = BATCH // OUT_CH


def _sc_gather_t(tabT, idxT):
    mesh = plsc.VectorSubcoreMesh(core_axis_name="c", subcore_axis_name="s")

    @functools.partial(
        pl.kernel,
        out_type=jax.ShapeDtypeStruct((IN_DIM, BATCH), jnp.float32),
        mesh=mesh,
        scratch_types=[
            pltpu.VMEM((VOCAB,), jnp.float32),
            pltpu.VMEM((BATCH,), jnp.int32),
            pltpu.VMEM((OUT_CH,), jnp.float32),
            pltpu.VMEM((OUT_CH,), jnp.float32),
            pltpu.SemaphoreType.DMA,
            pltpu.SemaphoreType.DMA,
        ],
        compiler_params=pltpu.CompilerParams(
            needs_layout_passes=False, use_tc_tiling_on_sc=True),
    )
    def k(tab_hbm, idx_hbm, out_hbm, rowbuf, idxbuf, ob0, ob1, s0, s1):
        wid = lax.axis_index("s") * NC + lax.axis_index("c")
        r0 = wid * RPW
        obufs = (ob0, ob1)
        sems = (s0, s1)

        def row_body(i, _):
            r = r0 + i
            f = r // EMBED_DIM

            @pl.when(jnp.logical_or(i == 0, r % EMBED_DIM == 0))
            def _load_idx():
                pltpu.sync_copy(idx_hbm.at[f], idxbuf)

            pltpu.sync_copy(tab_hbm.at[r], rowbuf)

            for h in range(N_CH):
                ob, sem = obufs[h % 2], sems[h % 2]

                def _drain(ob=ob, sem=sem, h=h):
                    pltpu.make_async_copy(
                        ob, out_hbm.at[r, pl.ds(h * OUT_CH, OUT_CH)], sem).wait()

                if h < 2:
                    pl.when(i > 0)(_drain)
                else:
                    _drain()

                @plsc.parallel_loop(0, OUT_CH, step=16, unroll=16)
                def _vec(j):
                    iv = idxbuf[pl.ds(h * OUT_CH + j, 16)]
                    ob[pl.ds(j, 16)] = plsc.load_gather(rowbuf, [iv])

                pltpu.async_copy(
                    ob, out_hbm.at[r, pl.ds(h * OUT_CH, OUT_CH)], sem)
            return 0

        lax.fori_loop(0, RPW, row_body, 0)
        for h in range(2):
            pltpu.make_async_copy(
                obufs[h], out_hbm.at[r0, pl.ds(h * OUT_CH, OUT_CH)],
                sems[h]).wait()

    return k(tabT, idxT)


BM = 2048


def _mlp_body(xT_ref, w0_ref, b0_ref, w1_ref, b1_ref, w2_ref, b2_ref, o_ref):
    xT = xT_ref[...].astype(jnp.bfloat16)
    h = lax.dot_general(xT, w0_ref[...].astype(jnp.bfloat16),
                        (((0,), (0,)), ((), ())),
                        preferred_element_type=jnp.float32) + b0_ref[...]
    h = h * jax.nn.sigmoid(h)
    h = jnp.dot(h.astype(jnp.bfloat16), w1_ref[...].astype(jnp.bfloat16),
                preferred_element_type=jnp.float32) + b1_ref[...]
    h = h * jax.nn.sigmoid(h)
    h = jnp.dot(h.astype(jnp.bfloat16), w2_ref[...].astype(jnp.bfloat16),
                preferred_element_type=jnp.float32) + b2_ref[...]
    norm = jnp.sqrt(jnp.sum(h * h, axis=-1, keepdims=True))
    o_ref[...] = h / jnp.maximum(norm, 1e-12)


def _mlp(xT, W0, b0, W1, b1, W2, b2):
    grid = (BATCH // BM,)
    return pl.pallas_call(
        _mlp_body,
        grid=grid,
        in_specs=[
            pl.BlockSpec((IN_DIM, BM), lambda i: (0, i)),
            pl.BlockSpec((IN_DIM, H0), lambda i: (0, 0)),
            pl.BlockSpec((1, H0), lambda i: (0, 0)),
            pl.BlockSpec((H0, H1), lambda i: (0, 0)),
            pl.BlockSpec((1, H1), lambda i: (0, 0)),
            pl.BlockSpec((H1, EMBED_DIM), lambda i: (0, 0)),
            pl.BlockSpec((1, EMBED_DIM), lambda i: (0, 0)),
        ],
        out_specs=pl.BlockSpec((BM, EMBED_DIM), lambda i: (i, 0)),
        out_shape=jax.ShapeDtypeStruct((BATCH, EMBED_DIM), jnp.float32),
        compiler_params=pltpu.CompilerParams(
            dimension_semantics=("arbitrary",),
            vmem_limit_bytes=100 * 1024 * 1024,
        ),
    )(xT, W0, b0, W1, b1, W2, b2)


def kernel(indices, tables, W0, b0, W1, b1, W2, b2):
    tabT = jnp.transpose(tables, (0, 2, 1)).reshape(IN_DIM, VOCAB)
    idxT = indices.astype(jnp.int32).T
    xT = _sc_gather_t(tabT, idxT)
    return _mlp(xT, W0, b0.reshape(1, H0), W1, b1.reshape(1, H1),
                W2, b2.reshape(1, EMBED_DIM))

# --- scband reference (transcript-rebuilt; emitter-appended) ---
"""Pipeline reference for scband-ad-tower-18494129177005 (READ-ONLY COPY).

The authoritative reference and input builder live on the scoring server;
editing this copy changes nothing except your own understanding.
"""

import jax, jax.numpy as jnp
import numpy as np

N_FEATURES = 26
VOCAB = 100000
EMBED_DIM = 32
BATCH = 16384
HIDDEN = [512, 256]
IN_DIM = N_FEATURES * EMBED_DIM


def setup_inputs(seed: int = 0) -> dict:
    key = jax.random.key(seed)
    ks = jax.random.split(key, 8)
    indices = jax.random.randint(ks[0], (BATCH, N_FEATURES), 0, VOCAB)
    # per-feature embedding tables stacked: [n_features, vocab, embed_dim]
    tables = jax.random.normal(ks[1], (N_FEATURES, VOCAB, EMBED_DIM), dtype=jnp.float32)
    W0 = jax.random.normal(ks[2], (IN_DIM, HIDDEN[0]), dtype=jnp.float32) * 0.02
    b0 = jnp.zeros((HIDDEN[0],), dtype=jnp.float32)
    W1 = jax.random.normal(ks[3], (HIDDEN[0], HIDDEN[1]), dtype=jnp.float32) * 0.02
    b1 = jnp.zeros((HIDDEN[1],), dtype=jnp.float32)
    W2 = jax.random.normal(ks[4], (HIDDEN[1], EMBED_DIM), dtype=jnp.float32) * 0.02
    b2 = jnp.zeros((EMBED_DIM,), dtype=jnp.float32)
    return {"indices": indices, "tables": tables, "W0": W0, "b0": b0,
            "W1": W1, "b1": b1, "W2": W2, "b2": b2}


def reference(indices, tables, W0, b0, W1, b1, W2, b2):
    # AdEmbedder: per-feature embedding lookup, then concat along last axis
    emb = jax.vmap(lambda t, idx: jnp.take(t, idx, axis=0), in_axes=(0, 1), out_axes=1)(tables, indices)  # [B, F, D]
    x = emb.reshape(emb.shape[0], -1)  # [B, F*D] == torch.cat(..., axis=-1)
    # MLP: Linear -> SiLU -> Linear -> SiLU -> Linear -> L2Norm(dim=-1)
    x = x @ W0 + b0
    x = x * jax.nn.sigmoid(x)
    x = x @ W1 + b1
    x = x * jax.nn.sigmoid(x)
    x = x @ W2 + b2
    norm = jnp.linalg.norm(x, ord=2, axis=-1, keepdims=True)
    return x / jnp.maximum(norm, 1e-12)

if __name__ == "__main__":
    import jax
    _d = setup_inputs()
    print(jax.jit(kernel)(*tuple(_d.values())))

</pallas_src>

<mosaic_0001>
#map = affine_map<(d0, d1) -> (0, 0)>
module attributes {stable_mosaic.version = 14 : i64} {
  func.func @k(%arg0: i32, %arg1: i32, %arg2: memref<832x100000xf32, #tpu.memory_space<hbm>>, %arg3: memref<26x16384xi32, #tpu.memory_space<hbm>>, %arg4: memref<832x16384xf32, #tpu.memory_space<hbm>>, %arg5: memref<100000xf32, #tpu.memory_space<vmem>>, %arg6: memref<16384xi32, #tpu.memory_space<vmem>>, %arg7: memref<4096xf32, #tpu.memory_space<vmem>>, %arg8: memref<4096xf32, #tpu.memory_space<vmem>>, %arg9: memref<!tpu.dma_semaphore, #tpu.memory_space<semaphore_mem>>, %arg10: memref<!tpu.dma_semaphore, #tpu.memory_space<semaphore_mem>>) attributes {dimension_semantics = [#tpu.dimension_semantics<core_parallel>, #tpu.dimension_semantics<subcore_parallel>], iteration_bounds = array<i64: 2, 16>, scalar_prefetch = 0 : i64, scratch_operands = 6 : i64, tpu.core_type = #tpu.core_type<sc_vector_subcore>, window_params = [{transform_indices = #map}, {transform_indices = #map}, {transform_indices = #map}]} {
    %mul3A = arith.constant 2 : i32
    %mul3A_0 = arith.muli %arg1, %mul3A : i32
    %add3A = arith.addi %mul3A_0, %arg0 : i32
    %mul3A_1 = arith.constant 26 : i32
    %mul3A_2 = arith.muli %add3A, %mul3A_1 : i32
    %scan3A = arith.constant 0 : i32
    %scan3A_3 = arith.constant 0 : i32
    %scan3A_4 = arith.constant 26 : i32
    %scan3A_5 = arith.addi %scan3A_3, %scan3A_4 : i32
    %scan3A_6 = arith.constant 1 : i32
    %scan3A_7 = scf.for %scan3A_20 = %scan3A_3 to %scan3A_5 step %scan3A_6 iter_args(%scan3A_21 = %scan3A) -> (i32)  : i32 {
      %add3A_22 = arith.addi %mul3A_2, %scan3A_20 : i32
      %jit3A = arith.constant 32 : i32
      %div3A = arith.divsi %add3A_22, %jit3A : i32
      %sign3A = arith.constant 0 : i32
      %sign3A_23 = arith.cmpi sgt, %add3A_22, %sign3A : i32
      %sign3A_24 = arith.extui %sign3A_23 : i1 to i32
      %sign3A_25 = arith.constant 0 : i32
      %sign3A_26 = arith.cmpi slt, %add3A_22, %sign3A_25 : i32
      %sign3A_27 = arith.extui %sign3A_26 : i1 to i32
      %sign3A_28 = arith.subi %sign3A_24, %sign3A_27 : i32
      %sign3A_29 = arith.constant 0 : i32
      %sign3A_30 = arith.cmpi sgt, %jit3A, %sign3A_29 : i32
      %sign3A_31 = arith.extui %sign3A_30 : i1 to i32
      %sign3A_32 = arith.constant 0 : i32
      %sign3A_33 = arith.cmpi slt, %jit3A, %sign3A_32 : i32
      %sign3A_34 = arith.extui %sign3A_33 : i1 to i32
      %sign3A_35 = arith.subi %sign3A_31, %sign3A_34 : i32
      %ne3A = arith.cmpi ne, %sign3A_28, %sign3A_35 : i32
      %rem3A = arith.remsi %add3A_22, %jit3A : i32
      %ne3A_36 = arith.constant 0 : i32
      %ne3A_37 = arith.cmpi ne, %rem3A, %ne3A_36 : i32
      %and3A = arith.andi %ne3A, %ne3A_37 : i1
      %sub3A = arith.constant 1 : i32
      %sub3A_38 = arith.subi %div3A, %sub3A : i32
      %select_n3A = arith.select %and3A, %sub3A_38, %div3A : i32
      %eq3A = arith.constant 0 : i32
      %eq3A_39 = arith.cmpi eq, %scan3A_20, %eq3A : i32
      %jit3A_40 = arith.constant 32 : i32
      %eq3A_41 = arith.constant 0 : i32
      %eq3A_42 = arith.cmpi eq, %jit3A_40, %eq3A_41 : i32
      %jit3A_43 = arith.constant 1 : i32
      %select_n3A_44 = arith.select %eq3A_42, %jit3A_43, %jit3A_40 : i32
      %rem3A_45 = arith.remsi %add3A_22, %select_n3A_44 : i32
      %ne3A_46 = arith.constant 0 : i32
      %ne3A_47 = arith.cmpi ne, %rem3A_45, %ne3A_46 : i32
      %lt3A = arith.constant 0 : i32
      %lt3A_48 = arith.cmpi slt, %rem3A_45, %lt3A : i32
      %lt3A_49 = arith.constant 0 : i32
      %lt3A_50 = arith.cmpi slt, %select_n3A_44, %lt3A_49 : i32
      %ne3A_51 = arith.xori %lt3A_48, %lt3A_50 : i1
      %and3A_52 = arith.andi %ne3A_51, %ne3A_47 : i1
      %add3A_53 = arith.addi %rem3A_45, %select_n3A_44 : i32
      %select_n3A_54 = arith.select %and3A_52, %add3A_53, %rem3A_45 : i32
      %eq3A_55 = arith.constant 0 : i32
      %eq3A_56 = arith.cmpi eq, %select_n3A_54, %eq3A_55 : i32
      %or3A = arith.ori %eq3A_39, %eq3A_56 : i1
      %convert_element_type3A = arith.extui %or3A : i1 to i32
      %cond3A = arith.constant 0 : i32
      %cond3A_57 = arith.cmpi ne, %convert_element_type3A, %cond3A : i32
      scf.if %cond3A_57 {
        "tpu.region"() ({
          %run_scoped3A = tpu.sem_alloc : memref<!tpu.dma_semaphore, #tpu.memory_space<semaphore_mem>>
          %dma_start3A_114 = arith.constant 0 : i32
          %dma_start3A_115 = tpu.memref_slice %arg3[%select_n3A, %dma_start3A_114] : memref<26x16384xi32, #tpu.memory_space<hbm>> -> memref<1x16384xi32, #tpu.memory_space<hbm>>
          %dma_start3A_116 = tpu.memref_squeeze %dma_start3A_115 : memref<1x16384xi32, #tpu.memory_space<hbm>> -> memref<16384xi32, #tpu.memory_space<hbm>>
          %dma_start3A_117 = arith.constant 0 : i32
          %dma_start3A_118 = tpu.memref_slice %arg3[%select_n3A, %dma_start3A_117] : memref<26x16384xi32, #tpu.memory_space<hbm>> -> memref<1x16384xi32, #tpu.memory_space<hbm>>
          %dma_start3A_119 = tpu.memref_squeeze %dma_start3A_118 : memref<1x16384xi32, #tpu.memory_space<hbm>> -> memref<16384xi32, #tpu.memory_space<hbm>>
          tpu.enqueue_dma source(%dma_start3A_119 : memref<16384xi32, #tpu.memory_space<hbm>>) target(%arg6 : memref<16384xi32, #tpu.memory_space<vmem>>) target_semaphore(%run_scoped3A : memref<!tpu.dma_semaphore, #tpu.memory_space<semaphore_mem>>)
          %dma_wait3A_120 = arith.constant 0 : i32
          %dma_wait3A_121 = tpu.memref_slice %arg3[%select_n3A, %dma_wait3A_120] : memref<26x16384xi32, #tpu.memory_space<hbm>> -> memref<1x16384xi32, #tpu.memory_space<hbm>>
          %dma_wait3A_122 = tpu.memref_squeeze %dma_wait3A_121 : memref<1x16384xi32, #tpu.memory_space<hbm>> -> memref<16384xi32, #tpu.memory_space<hbm>>
          %dma_wait3A_123 = arith.constant 0 : i32
          %dma_wait3A_124 = tpu.memref_slice %arg3[%select_n3A, %dma_wait3A_123] : memref<26x16384xi32, #tpu.memory_space<hbm>> -> memref<1x16384xi32, #tpu.memory_space<hbm>>
          %dma_wait3A_125 = tpu.memref_squeeze %dma_wait3A_124 : memref<1x16384xi32, #tpu.memory_space<hbm>> -> memref<16384xi32, #tpu.memory_space<hbm>>
          tpu.wait_dma2 semaphore(%run_scoped3A : memref<!tpu.dma_semaphore, #tpu.memory_space<semaphore_mem>>) src(%dma_wait3A_125 : memref<16384xi32, #tpu.memory_space<hbm>>) dst(%arg6 : memref<16384xi32, #tpu.memory_space<vmem>>)
          tpu.yield
        }) : () -> ()
      } else {
      }
      "tpu.region"() ({
        %run_scoped3A = tpu.sem_alloc : memref<!tpu.dma_semaphore, #tpu.memory_space<semaphore_mem>>
        %dma_start3A_114 = arith.constant 0 : i32
        %dma_start3A_115 = tpu.memref_slice %arg2[%add3A_22, %dma_start3A_114] : memref<832x100000xf32, #tpu.memory_space<hbm>> -> memref<1x100000xf32, #tpu.memory_space<hbm>>
        %dma_start3A_116 = tpu.memref_squeeze %dma_start3A_115 : memref<1x100000xf32, #tpu.memory_space<hbm>> -> memref<100000xf32, #tpu.memory_space<hbm>>
        %dma_start3A_117 = arith.constant 0 : i32
        %dma_start3A_118 = tpu.memref_slice %arg2[%add3A_22, %dma_start3A_117] : memref<832x100000xf32, #tpu.memory_space<hbm>> -> memref<1x100000xf32, #tpu.memory_space<hbm>>
        %dma_start3A_119 = tpu.memref_squeeze %dma_start3A_118 : memref<1x100000xf32, #tpu.memory_space<hbm>> -> memref<100000xf32, #tpu.memory_space<hbm>>
        tpu.enqueue_dma source(%dma_start3A_119 : memref<100000xf32, #tpu.memory_space<hbm>>) target(%arg5 : memref<100000xf32, #tpu.memory_space<vmem>>) target_semaphore(%run_scoped3A : memref<!tpu.dma_semaphore, #tpu.memory_space<semaphore_mem>>)
        %dma_wait3A_120 = arith.constant 0 : i32
        %dma_wait3A_121 = tpu.memref_slice %arg2[%add3A_22, %dma_wait3A_120] : memref<832x100000xf32, #tpu.memory_space<hbm>> -> memref<1x100000xf32, #tpu.memory_space<hbm>>
        %dma_wait3A_122 = tpu.memref_squeeze %dma_wait3A_121 : memref<1x100000xf32, #tpu.memory_space<hbm>> -> memref<100000xf32, #tpu.memory_space<hbm>>
        %dma_wait3A_123 = arith.constant 0 : i32
        %dma_wait3A_124 = tpu.memref_slice %arg2[%add3A_22, %dma_wait3A_123] : memref<832x100000xf32, #tpu.memory_space<hbm>> -> memref<1x100000xf32, #tpu.memory_space<hbm>>
        %dma_wait3A_125 = tpu.memref_squeeze %dma_wait3A_124 : memref<1x100000xf32, #tpu.memory_space<hbm>> -> memref<100000xf32, #tpu.memory_space<hbm>>
        tpu.wait_dma2 semaphore(%run_scoped3A : memref<!tpu.dma_semaphore, #tpu.memory_space<semaphore_mem>>) src(%dma_wait3A_125 : memref<100000xf32, #tpu.memory_space<hbm>>) dst(%arg5 : memref<100000xf32, #tpu.memory_space<vmem>>)
        tpu.yield
      }) : () -> ()
      %gt3A = arith.constant 0 : i32
      %gt3A_58 = arith.cmpi sgt, %scan3A_20, %gt3A : i32
      %convert_element_type3A_59 = arith.extui %gt3A_58 : i1 to i32
      %cond3A_60 = arith.constant 0 : i32
      %cond3A_61 = arith.cmpi ne, %convert_element_type3A_59, %cond3A_60 : i32
      scf.if %cond3A_61 {
        %dma_wait3A_114 = arith.constant 0 : i32
        %dma_wait3A_115 = tpu.memref_slice %arg4[%add3A_22, %dma_wait3A_114] : memref<832x16384xf32, #tpu.memory_space<hbm>> -> memref<1x4096xf32, #tpu.memory_space<hbm>>
        %dma_wait3A_116 = tpu.memref_squeeze %dma_wait3A_115 : memref<1x4096xf32, #tpu.memory_space<hbm>> -> memref<4096xf32, #tpu.memory_space<hbm>>
        %dma_wait3A_117 = arith.constant 0 : i32
        %dma_wait3A_118 = tpu.memref_slice %arg4[%add3A_22, %dma_wait3A_117] : memref<832x16384xf32, #tpu.memory_space<hbm>> -> memref<1x4096xf32, #tpu.memory_space<hbm>>
        %dma_wait3A_119 = tpu.memref_squeeze %dma_wait3A_118 : memref<1x4096xf32, #tpu.memory_space<hbm>> -> memref<4096xf32, #tpu.memory_space<hbm>>
        tpu.wait_dma2 semaphore(%arg9 : memref<!tpu.dma_semaphore, #tpu.memory_space<semaphore_mem>>) src(%arg7 : memref<4096xf32, #tpu.memory_space<vmem>>) dst(%dma_wait3A_119 : memref<4096xf32, #tpu.memory_space<hbm>>)
      } else {
      }
      %parallel_loop3A = arith.constant 0 : i32
      %parallel_loop3A_62 = arith.constant 4096 : i32
      %parallel_loop3A_63 = arith.constant 16 : i32
      scf.for %parallel_loop3A_114 = %parallel_loop3A to %parallel_loop3A_62 step %parallel_loop3A_63  : i32 {
        %parallel_loop3A_115 = arith.constant 0 : i32
        %parallel_loop3A_116 = arith.addi %parallel_loop3A_115, %parallel_loop3A_114 : i32
        %parallel_loop3A_117 = arith.index_cast %parallel_loop3A_116 : i32 to index
        %parallel_loop3A_118 = tpu.vector_load %arg6[%parallel_loop3A_117] {strides = array<i32>} : memref<16384xi32, #tpu.memory_space<vmem>>, vector<16xi32>,
        %parallel_loop3A_119 = tpu.vector_load_idx %arg5[%parallel_loop3A_118] : memref<100000xf32, #tpu.memory_space<vmem>>[vector<16xi32>], vector<16xf32>,
        %parallel_loop3A_120 = arith.index_cast %parallel_loop3A_114 : i32 to index
        %parallel_loop3A_121 = tpu.vector_load %arg7[%parallel_loop3A_120] {strides = array<i32>} : memref<4096xf32, #tpu.memory_space<vmem>>, vector<16xf32>,
        tpu.vector_store %arg7[%parallel_loop3A_120], %parallel_loop3A_119 {strides = array<i32>} : memref<4096xf32, #tpu.memory_space<vmem>>, vector<16xf32>,
      } {sc.loop_unroll_factor = 16 : i64, sc.parallel_access}
      %dma_start3A = arith.constant 0 : i32
      %dma_start3A_64 = tpu.memref_slice %arg4[%add3A_22, %dma_start3A] : memref<832x16384xf32, #tpu.memory_space<hbm>> -> memref<1x4096xf32, #tpu.memory_space<hbm>>
      %dma_start3A_65 = tpu.memref_squeeze %dma_start3A_64 : memref<1x4096xf32, #tpu.memory_space<hbm>> -> memref<4096xf32, #tpu.memory_space<hbm>>
      %dma_start3A_66 = arith.constant 0 : i32
      %dma_start3A_67 = tpu.memref_slice %arg4[%add3A_22, %dma_start3A_66] : memref<832x16384xf32, #tpu.memory_space<hbm>> -> memref<1x4096xf32, #tpu.memory_space<hbm>>
      %dma_start3A_68 = tpu.memref_squeeze %dma_start3A_67 : memref<1x4096xf32, #tpu.memory_space<hbm>> -> memref<4096xf32, #tpu.memory_space<hbm>>
      tpu.enqueue_dma source(%arg7 : memref<4096xf32, #tpu.memory_space<vmem>>) target(%dma_start3A_68 : memref<4096xf32, #tpu.memory_space<hbm>>) target_semaphore(%arg9 : memref<!tpu.dma_semaphore, #tpu.memory_space<semaphore_mem>>)
      %gt3A_69 = arith.constant 0 : i32
      %gt3A_70 = arith.cmpi sgt, %scan3A_20, %gt3A_69 : i32
      %convert_element_type3A_71 = arith.extui %gt3A_70 : i1 to i32
      %cond3A_72 = arith.constant 0 : i32
      %cond3A_73 = arith.cmpi ne, %convert_element_type3A_71, %cond3A_72 : i32
      scf.if %cond3A_73 {
        %dma_wait3A_114 = arith.constant 4096 : i32
        %dma_wait3A_115 = tpu.memref_slice %arg4[%add3A_22, %dma_wait3A_114] : memref<832x16384xf32, #tpu.memory_space<hbm>> -> memref<1x4096xf32, #tpu.memory_space<hbm>>
        %dma_wait3A_116 = tpu.memref_squeeze %dma_wait3A_115 : memref<1x4096xf32, #tpu.memory_space<hbm>> -> memref<4096xf32, #tpu.memory_space<hbm>>
        %dma_wait3A_117 = arith.constant 4096 : i32
        %dma_wait3A_118 = tpu.memref_slice %arg4[%add3A_22, %dma_wait3A_117] : memref<832x16384xf32, #tpu.memory_space<hbm>> -> memref<1x4096xf32, #tpu.memory_space<hbm>>
        %dma_wait3A_119 = tpu.memref_squeeze %dma_wait3A_118 : memref<1x4096xf32, #tpu.memory_space<hbm>> -> memref<4096xf32, #tpu.memory_space<hbm>>
        tpu.wait_dma2 semaphore(%arg10 : memref<!tpu.dma_semaphore, #tpu.memory_space<semaphore_mem>>) src(%arg8 : memref<4096xf32, #tpu.memory_space<vmem>>) dst(%dma_wait3A_119 : memref<4096xf32, #tpu.memory_space<hbm>>)
      } else {
      }
      %parallel_loop3A_74 = arith.constant 0 : i32
      %parallel_loop3A_75 = arith.constant 4096 : i32
      %parallel_loop3A_76 = arith.constant 16 : i32
      scf.for %parallel_loop3A_114 = %parallel_loop3A_74 to %parallel_loop3A_75 step %parallel_loop3A_76  : i32 {
        %parallel_loop3A_115 = arith.constant 4096 : i32
        %parallel_loop3A_116 = arith.addi %parallel_loop3A_115, %parallel_loop3A_114 : i32
        %parallel_loop3A_117 = arith.index_cast %parallel_loop3A_116 : i32 to index
        %parallel_loop3A_118 = tpu.vector_load %arg6[%parallel_loop3A_117] {strides = array<i32>} : memref<16384xi32, #tpu.memory_space<vmem>>, vector<16xi32>,
        %parallel_loop3A_119 = tpu.vector_load_idx %arg5[%parallel_loop3A_118] : memref<100000xf32, #tpu.memory_space<vmem>>[vector<16xi32>], vector<16xf32>,
        %parallel_loop3A_120 = arith.index_cast %parallel_loop3A_114 : i32 to index
        %parallel_loop3A_121 = tpu.vector_load %arg8[%parallel_loop3A_120] {strides = array<i32>} : memref<4096xf32, #tpu.memory_space<vmem>>, vector<16xf32>,
        tpu.vector_store %arg8[%parallel_loop3A_120], %parallel_loop3A_119 {strides = array<i32>} : memref<4096xf32, #tpu.memory_space<vmem>>, vector<16xf32>,
      } {sc.loop_unroll_factor = 16 : i64, sc.parallel_access}
      %dma_start3A_77 = arith.constant 4096 : i32
      %dma_start3A_78 = tpu.memref_slice %arg4[%add3A_22, %dma_start3A_77] : memref<832x16384xf32, #tpu.memory_space<hbm>> -> memref<1x4096xf32, #tpu.memory_space<hbm>>
      %dma_start3A_79 = tpu.memref_squeeze %dma_start3A_78 : memref<1x4096xf32, #tpu.memory_space<hbm>> -> memref<4096xf32, #tpu.memory_space<hbm>>
      %dma_start3A_80 = arith.constant 4096 : i32
      %dma_start3A_81 = tpu.memref_slice %arg4[%add3A_22, %dma_start3A_80] : memref<832x16384xf32, #tpu.memory_space<hbm>> -> memref<1x4096xf32, #tpu.memory_space<hbm>>
      %dma_start3A_82 = tpu.memref_squeeze %dma_start3A_81 : memref<1x4096xf32, #tpu.memory_space<hbm>> -> memref<4096xf32, #tpu.memory_space<hbm>>
      tpu.enqueue_dma source(%arg8 : memref<4096xf32, #tpu.memory_space<vmem>>) target(%dma_start3A_82 : memref<4096xf32, #tpu.memory_space<hbm>>) target_semaphore(%arg10 : memref<!tpu.dma_semaphore, #tpu.memory_space<semaphore_mem>>)
      %dma_wait3A_83 = arith.constant 8192 : i32
      %dma_wait3A_84 = tpu.memref_slice %arg4[%add3A_22, %dma_wait3A_83] : memref<832x16384xf32, #tpu.memory_space<hbm>> -> memref<1x4096xf32, #tpu.memory_space<hbm>>
      %dma_wait3A_85 = tpu.memref_squeeze %dma_wait3A_84 : memref<1x4096xf32, #tpu.memory_space<hbm>> -> memref<4096xf32, #tpu.memory_space<hbm>>
      %dma_wait3A_86 = arith.constant 8192 : i32
      %dma_wait3A_87 = tpu.memref_slice %arg4[%add3A_22, %dma_wait3A_86] : memref<832x16384xf32, #tpu.memory_space<hbm>> -> memref<1x4096xf32, #tpu.memory_space<hbm>>
      %dma_wait3A_88 = tpu.memref_squeeze %dma_wait3A_87 : memref<1x4096xf32, #tpu.memory_space<hbm>> -> memref<4096xf32, #tpu.memory_space<hbm>>
      tpu.wait_dma2 semaphore(%arg9 : memref<!tpu.dma_semaphore, #tpu.memory_space<semaphore_mem>>) src(%arg7 : memref<4096xf32, #tpu.memory_space<vmem>>) dst(%dma_wait3A_88 : memref<4096xf32, #tpu.memory_space<hbm>>)
      %parallel_loop3A_89 = arith.constant 0 : i32
      %parallel_loop3A_90 = arith.constant 4096 : i32
      %parallel_loop3A_91 = arith.constant 16 : i32
      scf.for %parallel_loop3A_114 = %parallel_loop3A_89 to %parallel_loop3A_90 step %parallel_loop3A_91  : i32 {
        %parallel_loop3A_115 = arith.constant 8192 : i32
        %parallel_loop3A_116 = arith.addi %parallel_loop3A_115, %parallel_loop3A_114 : i32
        %parallel_loop3A_117 = arith.index_cast %parallel_loop3A_116 : i32 to index
        %parallel_loop3A_118 = tpu.vector_load %arg6[%parallel_loop3A_117] {strides = array<i32>} : memref<16384xi32, #tpu.memory_space<vmem>>, vector<16xi32>,
        %parallel_loop3A_119 = tpu.vector_load_idx %arg5[%parallel_loop3A_118] : memref<100000xf32, #tpu.memory_space<vmem>>[vector<16xi32>], vector<16xf32>,
        %parallel_loop3A_120 = arith.index_cast %parallel_loop3A_114 : i32 to index
        %parallel_loop3A_121 = tpu.vector_load %arg7[%parallel_loop3A_120] {strides = array<i32>} : memref<4096xf32, #tpu.memory_space<vmem>>, vector<16xf32>,
        tpu.vector_store %arg7[%parallel_loop3A_120], %parallel_loop3A_119 {strides = array<i32>} : memref<4096xf32, #tpu.memory_space<vmem>>, vector<16xf32>,
      } {sc.loop_unroll_factor = 16 : i64, sc.parallel_access}
      %dma_start3A_92 = arith.constant 8192 : i32
      %dma_start3A_93 = tpu.memref_slice %arg4[%add3A_22, %dma_start3A_92] : memref<832x16384xf32, #tpu.memory_space<hbm>> -> memref<1x4096xf32, #tpu.memory_space<hbm>>
      %dma_start3A_94 = tpu.memref_squeeze %dma_start3A_93 : memref<1x4096xf32, #tpu.memory_space<hbm>> -> memref<4096xf32, #tpu.memory_space<hbm>>
      %dma_start3A_95 = arith.constant 8192 : i32
      %dma_start3A_96 = tpu.memref_slice %arg4[%add3A_22, %dma_start3A_95] : memref<832x16384xf32, #tpu.memory_space<hbm>> -> memref<1x4096xf32, #tpu.memory_space<hbm>>
      %dma_start3A_97 = tpu.memref_squeeze %dma_start3A_96 : memref<1x4096xf32, #tpu.memory_space<hbm>> -> memref<4096xf32, #tpu.memory_space<hbm>>
      tpu.enqueue_dma source(%arg7 : memref<4096xf32, #tpu.memory_space<vmem>>) target(%dma_start3A_97 : memref<4096xf32, #tpu.memory_space<hbm>>) target_semaphore(%arg9 : memref<!tpu.dma_semaphore, #tpu.memory_space<semaphore_mem>>)
      %dma_wait3A_98 = arith.constant 12288 : i32
      %dma_wait3A_99 = tpu.memref_slice %arg4[%add3A_22, %dma_wait3A_98] : memref<832x16384xf32, #tpu.memory_space<hbm>> -> memref<1x4096xf32, #tpu.memory_space<hbm>>
      %dma_wait3A_100 = tpu.memref_squeeze %dma_wait3A_99 : memref<1x4096xf32, #tpu.memory_space<hbm>> -> memref<4096xf32, #tpu.memory_space<hbm>>
      %dma_wait3A_101 = arith.constant 12288 : i32
      %dma_wait3A_102 = tpu.memref_slice %arg4[%add3A_22, %dma_wait3A_101] : memref<832x16384xf32, #tpu.memory_space<hbm>> -> memref<1x4096xf32, #tpu.memory_space<hbm>>
      %dma_wait3A_103 = tpu.memref_squeeze %dma_wait3A_102 : memref<1x4096xf32, #tpu.memory_space<hbm>> -> memref<4096xf32, #tpu.memory_space<hbm>>
      tpu.wait_dma2 semaphore(%arg10 : memref<!tpu.dma_semaphore, #tpu.memory_space<semaphore_mem>>) src(%arg8 : memref<4096xf32, #tpu.memory_space<vmem>>) dst(%dma_wait3A_103 : memref<4096xf32, #tpu.memory_space<hbm>>)
      %parallel_loop3A_104 = arith.constant 0 : i32
      %parallel_loop3A_105 = arith.constant 4096 : i32
      %parallel_loop3A_106 = arith.constant 16 : i32
      scf.for %parallel_loop3A_114 = %parallel_loop3A_104 to %parallel_loop3A_105 step %parallel_loop3A_106  : i32 {
        %parallel_loop3A_115 = arith.constant 12288 : i32
        %parallel_loop3A_116 = arith.addi %parallel_loop3A_115, %parallel_loop3A_114 : i32
        %parallel_loop3A_117 = arith.index_cast %parallel_loop3A_116 : i32 to index
        %parallel_loop3A_118 = tpu.vector_load %arg6[%parallel_loop3A_117] {strides = array<i32>} : memref<16384xi32, #tpu.memory_space<vmem>>, vector<16xi32>,
        %parallel_loop3A_119 = tpu.vector_load_idx %arg5[%parallel_loop3A_118] : memref<100000xf32, #tpu.memory_space<vmem>>[vector<16xi32>], vector<16xf32>,
        %parallel_loop3A_120 = arith.index_cast %parallel_loop3A_114 : i32 to index
        %parallel_loop3A_121 = tpu.vector_load %arg8[%parallel_loop3A_120] {strides = array<i32>} : memref<4096xf32, #tpu.memory_space<vmem>>, vector<16xf32>,
        tpu.vector_store %arg8[%parallel_loop3A_120], %parallel_loop3A_119 {strides = array<i32>} : memref<4096xf32, #tpu.memory_space<vmem>>, vector<16xf32>,
      } {sc.loop_unroll_factor = 16 : i64, sc.parallel_access}
      %dma_start3A_107 = arith.constant 12288 : i32
      %dma_start3A_108 = tpu.memref_slice %arg4[%add3A_22, %dma_start3A_107] : memref<832x16384xf32, #tpu.memory_space<hbm>> -> memref<1x4096xf32, #tpu.memory_space<hbm>>
      %dma_start3A_109 = tpu.memref_squeeze %dma_start3A_108 : memref<1x4096xf32, #tpu.memory_space<hbm>> -> memref<4096xf32, #tpu.memory_space<hbm>>
      %dma_start3A_110 = arith.constant 12288 : i32
      %dma_start3A_111 = tpu.memref_slice %arg4[%add3A_22, %dma_start3A_110] : memref<832x16384xf32, #tpu.memory_space<hbm>> -> memref<1x4096xf32, #tpu.memory_space<hbm>>
      %dma_start3A_112 = tpu.memref_squeeze %dma_start3A_111 : memref<1x4096xf32, #tpu.memory_space<hbm>> -> memref<4096xf32, #tpu.memory_space<hbm>>
      tpu.enqueue_dma source(%arg8 : memref<4096xf32, #tpu.memory_space<vmem>>) target(%dma_start3A_112 : memref<4096xf32, #tpu.memory_space<hbm>>) target_semaphore(%arg10 : memref<!tpu.dma_semaphore, #tpu.memory_space<semaphore_mem>>)
      %scan3A_113 = arith.constant 0 : i32
      scf.yield %scan3A_113 : i32
    }
    %scan3A_8 = arith.constant 26 : i32
    %dma_wait3A = arith.constant 0 : i32
    %dma_wait3A_9 = tpu.memref_slice %arg4[%mul3A_2, %dma_wait3A] : memref<832x16384xf32, #tpu.memory_space<hbm>> -> memref<1x4096xf32, #tpu.memory_space<hbm>>
    %dma_wait3A_10 = tpu.memref_squeeze %dma_wait3A_9 : memref<1x4096xf32, #tpu.memory_space<hbm>> -> memref<4096xf32, #tpu.memory_space<hbm>>
    %dma_wait3A_11 = arith.constant 0 : i32
    %dma_wait3A_12 = tpu.memref_slice %arg4[%mul3A_2, %dma_wait3A_11] : memref<832x16384xf32, #tpu.memory_space<hbm>> -> memref<1x4096xf32, #tpu.memory_space<hbm>>
    %dma_wait3A_13 = tpu.memref_squeeze %dma_wait3A_12 : memref<1x4096xf32, #tpu.memory_space<hbm>> -> memref<4096xf32, #tpu.memory_space<hbm>>
    tpu.wait_dma2 semaphore(%arg9 : memref<!tpu.dma_semaphore, #tpu.memory_space<semaphore_mem>>) src(%arg7 : memref<4096xf32, #tpu.memory_space<vmem>>) dst(%dma_wait3A_13 : memref<4096xf32, #tpu.memory_space<hbm>>)
    %dma_wait3A_14 = arith.constant 4096 : i32
    %dma_wait3A_15 = tpu.memref_slice %arg4[%mul3A_2, %dma_wait3A_14] : memref<832x16384xf32, #tpu.memory_space<hbm>> -> memref<1x4096xf32, #tpu.memory_space<hbm>>
    %dma_wait3A_16 = tpu.memref_squeeze %dma_wait3A_15 : memref<1x4096xf32, #tpu.memory_space<hbm>> -> memref<4096xf32, #tpu.memory_space<hbm>>
    %dma_wait3A_17 = arith.constant 4096 : i32
    %dma_wait3A_18 = tpu.memref_slice %arg4[%mul3A_2, %dma_wait3A_17] : memref<832x16384xf32, #tpu.memory_space<hbm>> -> memref<1x4096xf32, #tpu.memory_space<hbm>>
    %dma_wait3A_19 = tpu.memref_squeeze %dma_wait3A_18 : memref<1x4096xf32, #tpu.memory_space<hbm>> -> memref<4096xf32, #tpu.memory_space<hbm>>
    tpu.wait_dma2 semaphore(%arg10 : memref<!tpu.dma_semaphore, #tpu.memory_space<semaphore_mem>>) src(%arg8 : memref<4096xf32, #tpu.memory_space<vmem>>) dst(%dma_wait3A_19 : memref<4096xf32, #tpu.memory_space<hbm>>)
    return
  }
}

module attributes {stable_mosaic.version = 14 : i64} {
  func.func @_mlp_body(%arg0: i32, %arg1: memref<832x2048xf32, #tpu.memory_space<vmem>>, %arg2: memref<832x512xf32, #tpu.memory_space<vmem>>, %arg3: memref<1x512xf32, #tpu.memory_space<vmem>>, %arg4: memref<512x256xf32, #tpu.memory_space<vmem>>, %arg5: memref<1x256xf32, #tpu.memory_space<vmem>>, %arg6: memref<256x32xf32, #tpu.memory_space<vmem>>, %arg7: memref<1x32xf32, #tpu.memory_space<vmem>>, %arg8: memref<2048x32xf32, #tpu.memory_space<vmem>>) attributes {dimension_semantics = [#tpu.dimension_semantics<arbitrary>], iteration_bounds = array<i64: 8>, scalar_prefetch = 0 : i64, scratch_operands = 0 : i64, tpu.core_type = #tpu.core_type<tc>, window_params = [{transform_indices = @transform_0, window_bounds = array<i64: 832, 2048>}, {pipeline_mode = #tpu.pipeline_mode<synchronous>, transform_indices = @transform_1, window_bounds = array<i64: 832, 512>}, {pipeline_mode = #tpu.pipeline_mode<synchronous>, transform_indices = @transform_2, window_bounds = array<i64: 1, 512>}, {pipeline_mode = #tpu.pipeline_mode<synchronous>, transform_indices = @transform_3, window_bounds = array<i64: 512, 256>}, {pipeline_mode = #tpu.pipeline_mode<synchronous>, transform_indices = @transform_4, window_bounds = array<i64: 1, 256>}, {pipeline_mode = #tpu.pipeline_mode<synchronous>, transform_indices = @transform_5, window_bounds = array<i64: 256, 32>}, {pipeline_mode = #tpu.pipeline_mode<synchronous>, transform_indices = @transform_6, window_bounds = array<i64: 1, 32>}, {transform_indices = @transform_7, window_bounds = array<i64: 2048, 32>}]} {
    %get3A = arith.constant 0 : index
    %get3A_0 = arith.constant 0 : index
    %get3A_1 = vector.load %arg1[%get3A, %get3A_0] : memref<832x2048xf32, #tpu.memory_space<vmem>>, vector<832x2048xf32>
    %convert_element_type3A = arith.truncf %get3A_1 : vector<832x2048xf32> to vector<832x2048xbf16>
    %get3A_2 = arith.constant 0 : index
    %get3A_3 = arith.constant 0 : index
    %get3A_4 = vector.load %arg2[%get3A_2, %get3A_3] : memref<832x512xf32, #tpu.memory_space<vmem>>, vector<832x512xf32>
    %convert_element_type3A_5 = arith.truncf %get3A_4 : vector<832x512xf32> to vector<832x512xbf16>
    %dot_general3A = arith.constant dense<0.000000e+00> : vector<2048x512xf32>
    %dot_general3A_6 = tpu.matmul %convert_element_type3A, %convert_element_type3A_5, %dot_general3A {dimension_numbers = #tpu.dot_dimension_numbers<[0], [0], [1], [1], [0, 1, 1, 1], [], []>, transpose_lhs_hint = false} : vector<832x2048xbf16>, vector<832x512xbf16>, vector<2048x512xf32> -> vector<2048x512xf32>
    %get3A_7 = arith.constant 0 : index
    %get3A_8 = arith.constant 0 : index
    %get3A_9 = vector.load %arg3[%get3A_7, %get3A_8] : memref<1x512xf32, #tpu.memory_space<vmem>>, vector<1x512xf32>
    %add3A = vector.broadcast %get3A_9 : vector<1x512xf32> to vector<2048x512xf32>
    %add3A_10 = arith.addf %dot_general3A_6, %add3A : vector<2048x512xf32>
    %logistic3A = arith.negf %add3A_10 : vector<2048x512xf32>
    %logistic3A_11 = math.exp %logistic3A : vector<2048x512xf32>
    %logistic3A_12 = arith.constant 1.000000e+00 : f32
    %logistic3A_13 = vector.broadcast %logistic3A_12 : f32 to vector<2048x512xf32>
    %logistic3A_14 = arith.addf %logistic3A_13, %logistic3A_11 : vector<2048x512xf32>
    %logistic3A_15 = arith.divf %logistic3A_13, %logistic3A_14 : vector<2048x512xf32>
    %mul3A = arith.mulf %add3A_10, %logistic3A_15 : vector<2048x512xf32>
    %convert_element_type3A_16 = arith.truncf %mul3A : vector<2048x512xf32> to vector<2048x512xbf16>
    %get3A_17 = arith.constant 0 : index
    %get3A_18 = arith.constant 0 : index
    %get3A_19 = vector.load %arg4[%get3A_17, %get3A_18] : memref<512x256xf32, #tpu.memory_space<vmem>>, vector<512x256xf32>
    %convert_element_type3A_20 = arith.truncf %get3A_19 : vector<512x256xf32> to vector<512x256xbf16>
    %dot_general3A_21 = arith.constant dense<0.000000e+00> : vector<2048x256xf32>
    %dot_general3A_22 = tpu.matmul %convert_element_type3A_16, %convert_element_type3A_20, %dot_general3A_21 {dimension_numbers = #tpu.dot_dimension_numbers<[1], [0], [0], [1], [0, 0, 1, 1], [], []>, transpose_lhs_hint = false} : vector<2048x512xbf16>, vector<512x256xbf16>, vector<2048x256xf32> -> vector<2048x256xf32>
    %get3A_23 = arith.constant 0 : index
    %get3A_24 = arith.constant 0 : index
    %get3A_25 = vector.load %arg5[%get3A_23, %get3A_24] : memref<1x256xf32, #tpu.memory_space<vmem>>, vector<1x256xf32>
    %add3A_26 = vector.broadcast %get3A_25 : vector<1x256xf32> to vector<2048x256xf32>
    %add3A_27 = arith.addf %dot_general3A_22, %add3A_26 : vector<2048x256xf32>
    %logistic3A_28 = arith.negf %add3A_27 : vector<2048x256xf32>
    %logistic3A_29 = math.exp %logistic3A_28 : vector<2048x256xf32>
    %logistic3A_30 = arith.constant 1.000000e+00 : f32
    %logistic3A_31 = vector.broadcast %logistic3A_30 : f32 to vector<2048x256xf32>
    %logistic3A_32 = arith.addf %logistic3A_31, %logistic3A_29 : vector<2048x256xf32>
    %logistic3A_33 = arith.divf %logistic3A_31, %logistic3A_32 : vector<2048x256xf32>
    %mul3A_34 = arith.mulf %add3A_27, %logistic3A_33 : vector<2048x256xf32>
    %convert_element_type3A_35 = arith.truncf %mul3A_34 : vector<2048x256xf32> to vector<2048x256xbf16>
    %get3A_36 = arith.constant 0 : index
    %get3A_37 = arith.constant 0 : index
    %get3A_38 = vector.load %arg6[%get3A_36, %get3A_37] : memref<256x32xf32, #tpu.memory_space<vmem>>, vector<256x32xf32>
    %convert_element_type3A_39 = arith.truncf %get3A_38 : vector<256x32xf32> to vector<256x32xbf16>
    %dot_general3A_40 = arith.constant dense<0.000000e+00> : vector<2048x32xf32>
    %dot_general3A_41 = tpu.matmul %convert_element_type3A_35, %convert_element_type3A_39, %dot_general3A_40 {dimension_numbers = #tpu.dot_dimension_numbers<[1], [0], [0], [1], [0, 0, 1, 1], [], []>, transpose_lhs_hint = false} : vector<2048x256xbf16>, vector<256x32xbf16>, vector<2048x32xf32> -> vector<2048x32xf32>
    %get3A_42 = arith.constant 0 : index
    %get3A_43 = arith.constant 0 : index
    %get3A_44 = vector.load %arg7[%get3A_42, %get3A_43] : memref<1x32xf32, #tpu.memory_space<vmem>>, vector<1x32xf32>
    %add3A_45 = vector.broadcast %get3A_44 : vector<1x32xf32> to vector<2048x32xf32>
    %add3A_46 = arith.addf %dot_general3A_41, %add3A_45 : vector<2048x32xf32>
    %mul3A_47 = arith.mulf %add3A_46, %add3A_46 : vector<2048x32xf32>
    %reduce_sum3A = arith.constant dense<0.000000e+00> : vector<2048xf32>
    %reduce_sum3A_48 = vector.multi_reduction <add>, %mul3A_47, %reduce_sum3A [1] : vector<2048x32xf32> to vector<2048xf32>
    %broadcast_in_dim3A = vector.shape_cast %reduce_sum3A_48 : vector<2048xf32> to vector<2048x1xf32>
    %sqrt3A = math.sqrt %broadcast_in_dim3A : vector<2048x1xf32>
    %max3A = arith.constant 9.99999996E-13 : f32
    %max3A_49 = vector.broadcast %max3A : f32 to vector<2048x1xf32>
    %max3A_50 = arith.maximumf %sqrt3A, %max3A_49 : vector<2048x1xf32>
    %div3A = vector.broadcast %max3A_50 : vector<2048x1xf32> to vector<2048x32xf32>
    %div3A_51 = arith.divf %add3A_46, %div3A : vector<2048x32xf32>
    %swap3A = arith.constant 0 : index
    %swap3A_52 = arith.constant 0 : index
    %swap3A_53 = vector.load %arg8[%swap3A, %swap3A_52] : memref<2048x32xf32, #tpu.memory_space<vmem>>, vector<2048x32xf32>
    tpu.vector_store %arg8[%swap3A, %swap3A_52], %div3A_51 {strides = array<i32>} : memref<2048x32xf32, #tpu.memory_space<vmem>>, vector<2048x32xf32>,
    return
  }
  func.func @transform_0(%arg0: i32) -> (i32, i32) {
    %c0_i32 = arith.constant 0 : i32
    %c0_i32_0 = arith.constant 0 : i32
    return %c0_i32, %arg0 : i32, i32
  }
  func.func @transform_1(%arg0: i32) -> (i32, i32) {
    %c0_i32 = arith.constant 0 : i32
    %c0_i32_0 = arith.constant 0 : i32
    %c0_i32_1 = arith.constant 0 : i32
    return %c0_i32, %c0_i32_0 : i32, i32
  }
  func.func @transform_2(%arg0: i32) -> (i32, i32) {
    %c0_i32 = arith.constant 0 : i32
    %c0_i32_0 = arith.constant 0 : i32
    %c0_i32_1 = arith.constant 0 : i32
    return %c0_i32, %c0_i32_0 : i32, i32
  }
  func.func @transform_3(%arg0: i32) -> (i32, i32) {
    %c0_i32 = arith.constant 0 : i32
    %c0_i32_0 = arith.constant 0 : i32
    %c0_i32_1 = arith.constant 0 : i32
    return %c0_i32, %c0_i32_0 : i32, i32
  }
  func.func @transform_4(%arg0: i32) -> (i32, i32) {
    %c0_i32 = arith.constant 0 : i32
    %c0_i32_0 = arith.constant 0 : i32
    %c0_i32_1 = arith.constant 0 : i32
    return %c0_i32, %c0_i32_0 : i32, i32
  }
  func.func @transform_5(%arg0: i32) -> (i32, i32) {
    %c0_i32 = arith.constant 0 : i32
    %c0_i32_0 = arith.constant 0 : i32
    %c0_i32_1 = arith.constant 0 : i32
    return %c0_i32, %c0_i32_0 : i32, i32
  }
  func.func @transform_6(%arg0: i32) -> (i32, i32) {
    %c0_i32 = arith.constant 0 : i32
    %c0_i32_0 = arith.constant 0 : i32
    %c0_i32_1 = arith.constant 0 : i32
    return %c0_i32, %c0_i32_0 : i32, i32
  }
  func.func @transform_7(%arg0: i32) -> (i32, i32) {
    %c0_i32 = arith.constant 0 : i32
    %c0_i32_0 = arith.constant 0 : i32
    return %arg0, %c0_i32 : i32, i32
  }
}

</mosaic_0001>

<sc_bundles>
// kernel: kernel.4.cloned.1.call-start
scs
__scs_entry_jumppad:
0x0: {  	(pc) =	sbr.rel $0x88, $3  }
0x1: {  	(tag) =	ssettag $0x0;
	lr =	simm.s32 $0x1  }
0x2: {  	[smem:$0x3F99] =	sst lr;
	_ =	strace $0xD0000000  }
0x3: {  	_ = 	snop  }
0x4: {  	_ = 	snop  }
0x5: {  	_ = 	snop  }
0x6: {  	_ = 	snop  }
0x7: {  	_ = 	snop  }
__scs_overlays_trampoline_lowered:
0x8: {  	[smem:$0x3FA8] =	sst s0  }
0x9: {  	[smem:$0x3FA9] =	sst s1  }
0xa: {  	[smem:$0x3FAA] =	sst s2  }
0xb: {  	[smem:$0x3FAB] =	sst s3  }
0xc: {  	[smem:$0x3FAC] =	sst s4  }
0xd: {  	[smem:$0x3FAD] =	sst s5  }
0xe: {  	[smem:$0x3FAE] =	sst s6  }
0xf: {  	[smem:$0x3FAF] =	sst s7  }
0x10: {  	[smem:$0x3FB0] =	sst s8  }
0x11: {  	[smem:$0x3FB1] =	sst s9;
	s0 =	simm.s32 @!p0 $0x0  }
0x12: {  	s1 =	sld [smem:$0x3F97];
	s0 =	simm.s32 @p0 $0x1  }
0x13: {  	[smem:$0x3FB2] =	sst s0;
	s0 =	simm.s32 @!p1 $0x0  }
0x14: {  	s2 =	sld [smem:$0x3F96];
	s0 =	simm.s32 @p1 $0x1  }
0x15: {  	[smem:$0x3FB3] =	sst s0;
	s0 =	simm.s32 @!p2 $0x0  }
0x16: {  	s3 =	sld [smem:$0x3FDB];
	s0 =	simm.s32 @p2 $0x1  }
0x17: {  	s4 =	simm.s32 $0x1BF5;
	[smem:$0x3FB5] =	sst s0  }
0x18: {  	s0 =	sld [smem:$0x3F98];
	_ =	swait.ge [sflag:s4], $0x0  }
0x19: {  	s7 =	sld [smem:$0x3F99]  }
0x1a: {  	s8 =	sadd.s32 $0xFFFFE003, lr  }
0x1b: {  	s9 =	sadd.s32 $0xFFFFFEF7, lr;
	s5 =	simm.s32 $0xFFFFFFFF;
	p2 =	slt.u32 s8, $0xFFFFF086  }
0x1c: {  	p1 =	slt.u32 s9, $0xF7A;
	s5 =	simm.s32 @!p2 $0x0  }
0x1d: {  	s5 =	simm.s32 @p1 $0x1;
	p0 =	seq.s32 s7, s2  }
0x1e: {  	s7 =	smul.u32 @!p0 $0xF7A, s2;
	p2 =	seq.s32 @!p0 s5, $0x0  }
0x1f: {  	s9 =	smul.u32 $0xF7A, s1;
	s8 =	simm.s32 @!p0 $0x1BF5;
	p2 =	por !p2, p0  }
0x20: {  	[sflag:s8] =	ssyncset.s32 @!p0 $0xFFFFF086;
	s6 =	sadd.s32 @!p0 s3, s7;
	s7 =	simm.s32 @!p0 $0x108  }
0x21: {  	s3 =	sadd.s32 s3, s9;
	s6 =	sadd.s32 @!p0 $0x88, s6;
	s7 =	simm.s32 @p2 $0x1082  }
0x22: {  	[simem:s7], [sflag:s8] =	dma.local @!p0 [hbm:s6], $0xF7A  }
0x23: {  	s9 =	sor.u32 $0xD0000000, s2;
	s6 =	simm.s32 $0x108;
	_ =	swait.ge @!p0 [sflag:s8], $0x0  }
0x24: {  	s3 =	sadd.s32 $0x88, s3;
	s6 =	simm.s32 @!p1 $0x1082;
	[sflag:s4] =	ssyncset.s32 $0xFFFFF086  }
0x25: {  	[simem:s6], [sflag:s4] =	dma.local [hbm:s3], $0xF7A  }
0x26: {  	[smem:$0x3F99] =	sst s1;
	(tag) =	ssettag s2;
	_ =	strace s9  }
0x27: {  	s1 =	sld [smem:$0x3FA9]  }
0x28: {  	s2 =	sld [smem:$0x3FAA]  }
0x29: {  	s4 =	sld [smem:$0x3FAC]  }
0x2a: {  	p0 =	seq.s32 s5, $0x0;
	s5 =	sld [smem:$0x3FAD]  }
0x2b: {  	s6 =	sld [smem:$0x3FAE]  }
0x2c: {  	s7 =	sld [smem:$0x3FAF]  }
0x2d: {  	s3 =	simm.s32 $0x108;
	s8 =	sld [smem:$0x3FB0]  }
0x2e: {  	s3 =	simm.s32 @!p0 $0x1082;
	s9 =	sld [smem:$0x3FB1]  }
0x2f: {  	lr =	sadd.s32 s0, s3;
	s0 =	sld [smem:$0x3FA8]  }
0x30: {  	s3 =	sld [smem:$0x3FAB]  }
0x31: {  	[smem:$0x3FB4] =	sst s10  }
0x32: {  	s10 =	sld [smem:$0x3FB2];
	_ =	sdelay $0x3  }
0x33: {  	p0 =	seq.s32 s10, $0x1;
	s10 =	sld [smem:$0x3FB4];
	_ =	sdelay $0x3  }
0x34: {  	[smem:$0x3FB4] =	sst s10  }
0x35: {  	s10 =	sld [smem:$0x3FB3];
	_ =	sdelay $0x3  }
0x36: {  	p1 =	seq.s32 s10, $0x1;
	s10 =	sld [smem:$0x3FB4];
	_ =	sdelay $0x3  }
0x37: {  	[smem:$0x3FB4] =	sst s10  }
0x38: {  	s10 =	sld [smem:$0x3FB5]  }
0x39: {  	_ = 	snop;
	(pc) =	sbr.ind lr, $3  }
0x3a: {  	_ = 	snop  }
0x3b: {  	_ = 	snop  }
0x3c: {  	p2 =	seq.s32 s10, $0x1;
	s10 =	sld [smem:$0x3FB4]  }
0x3d: {  	_ =	shalt  }
0x3e: {  	_ =	shalt  }
0x3f: {  	_ =	shalt  }
0x40: {  	_ =	shalt  }
0x41: {  	_ =	shalt  }
0x42: {  	_ =	shalt  }
0x43: {  	_ =	shalt  }
0x44: {  	_ =	shalt  }
0x45: {  	_ =	shalt  }
0x46: {  	_ =	shalt  }
0x47: {  	_ =	shalt  }
0x48: {  	_ =	shalt  }
0x49: {  	_ =	shalt  }
0x4a: {  	_ =	shalt  }
0x4b: {  	_ =	shalt  }
0x4c: {  	_ =	shalt  }
0x4d: {  	_ =	shalt  }
0x4e: {  	_ =	shalt  }
0x4f: {  	_ =	shalt  }
0x50: {  	_ =	shalt  }
0x51: {  	_ =	shalt  }
0x52: {  	_ =	shalt  }
0x53: {  	_ =	shalt  }
0x54: {  	_ =	shalt  }
0x55: {  	_ =	shalt  }
0x56: {  	_ =	shalt  }
0x57: {  	_ =	shalt  }
0x58: {  	_ =	shalt  }
0x59: {  	_ =	shalt  }
0x5a: {  	_ =	shalt  }
0x5b: {  	_ =	shalt  }
0x5c: {  	_ =	shalt  }
0x5d: {  	_ =	shalt  }
0x5e: {  	_ =	shalt  }
0x5f: {  	_ =	shalt  }
0x60: {  	_ =	shalt  }
0x61: {  	_ =	shalt  }
0x62: {  	_ =	shalt  }
0x63: {  	_ =	shalt  }
0x64: {  	_ =	shalt  }
0x65: {  	_ =	shalt  }
0x66: {  	_ =	shalt  }
0x67: {  	_ =	shalt  }
0x68: {  	_ =	shalt  }
0x69: {  	_ =	shalt  }
0x6a: {  	_ =	shalt  }
0x6b: {  	_ =	shalt  }
0x6c: {  	_ =	shalt  }
0x6d: {  	_ =	shalt  }
0x6e: {  	_ =	shalt  }
0x6f: {  	_ =	shalt  }
0x70: {  	_ =	shalt  }
0x71: {  	_ =	shalt  }
0x72: {  	_ =	shalt  }
0x73: {  	_ =	shalt  }
0x74: {  	_ =	shalt  }
0x75: {  	_ =	shalt  }
0x76: {  	_ =	shalt  }
0x77: {  	_ =	shalt  }
0x78: {  	_ =	shalt  }
0x79: {  	_ =	shalt  }
0x7a: {  	_ =	shalt  }
0x7b: {  	_ =	shalt  }
0x7c: {  	_ =	shalt  }
0x7d: {  	_ =	shalt  }
0x7e: {  	_ =	shalt  }
0x7f: {  	_ =	shalt  }
0x80: {  	_ =	shalt  }
0x81: {  	_ =	shalt  }
0x82: {  	_ =	shalt  }
0x83: {  	_ =	shalt  }
0x84: {  	_ =	shalt  }
0x85: {  	_ =	shalt  }
0x86: {  	_ =	shalt  }
0x87: {  	_ =	shalt  }
.Lfunc_end0:
.L_simem_size_0:
called_computation_lowered:
.L_overlay_start_0:
0x88: {  	s2 =	sld [smem:$0x3FD9]  }
0x89: {  	s3 =	sld [smem:$0x3FFE];
	_ =	sdelay $0x1  }
0x8a: {  	s1 =	srdreg.scid  }
0x8b: {  	s0 =	sand.u32 $0x1, s1  }
0x8c: {  	s17 =	sshll.u32 s0, $0xA;
	s2 =	sadd.s32 s3, s2  }
0x8d: {  	s2 =	sadd.s32 s2, s17  }
0x8e: {  	[smem:$0x3FC0] =	sst s2  }
0x8f: {  	_ = 	snop  }
0x90: {  	s2 =	sld [smem:$0x3FC9]  }
0x91: {  	s18 =	sld [smem:$0x3FC8];
	(tm) =	ssettm $0x1  }
0x92: {  	s4 =	sld [smem:$0x3FFB];
	_ =	sdelay $0x3  }
0x93: {  	_ =	strace s4  }
0x94: {  	s4 =	sld [smem:$0x3FFC];
	_ =	sdelay $0x3  }
0x95: {  	_ =	strace s4  }
0x96: {  	s4 =	sld [smem:$0x3FFD];
	_ =	sdelay $0x3  }
0x97: {  	_ =	strace s4  }
0x98: {  	_ =	strace $0x8FFFFFFF  }
0x99: {  	s19 =	sld [smem:$0x3FDB];
	_ =	sdelay $0x1  }
0x9a: {  	s5 =	simm.s32 $_scs_section_size  }
0x9b: {  	s6 =	simm.s32 $_size__tile_overlayer_lowered;
	s7 =	simm.s32 $_tile_overlayer_lowered  }
0x9c: {  	s22 =	simm.s32 $0x1BFF;
	s21 =	sshll.u32 s7, $0x1;
	s4 =	sadd.s32 s5, s19  }
0x9d: {  	s8 =	simm.s32 $0x0;
	s20 =	sshll.u32 s6, $0x1;
	s6 =	sadd.s32 s21, s4  }
0x9e: {  	[timem:s8], [sflag:s22] =	dma.local [hbm:s6], s20  }
0x9f: {  	_ =	swait.ge [sflag:s22], s20  }
0xa0: {  	s5 =	ssub.s32 $0x0, s20;
	[sflag:s22] =	ssyncset.done $0x0  }
0xa1: {  	[sflag:s22] =	ssyncadd.s32 s5;
	_ =	sdelay $0x1  }
0xa2: {  	s23 =	simm.s32 $0x1B8B  }
0xa3: {  	_ =	swait.ge [sflag:s23], $0x1  }
0xa4: {  	[sflag:s23] =	ssyncset.done $0x0  }
0xa5: {  	s25 =	simm.s32 $0x1B8E;
	s24 =	sld [smem:$0x3FFE];
	[sflag:s23] =	ssyncadd.s32 $0xFFFFFFFF  }
0xa6: {  	s26 =	simm.s32 $execute0_lowered;
	[smem:$0x3FD2] =	sst s25  }
0xa7: {  	s6 =	sshll.u32 s26, $0x1;
	_ =	strace $0x80000046;
	[dreg:$0x1] =	wrdreg $0xFFFFFFFF  }
0xa8: {  	s28 =	simm.s32 $_size_execute0_lowered;
	s4 =	sadd.s32 s4, s6;
	[dreg:$0x0] =	wrdreg $0x0  }
0xa9: {  	s6 =	sshll.u32 s28, $0x1;
	[dreg:$0x2] =	wrdreg s4  }
0xaa: {  	[dreg:$0x3] =	wrdreg s6  }
0xab: {  	[dreg:$0x4] =	wrdreg $0xC0  }
0xac: {  	_ =	task [dreg:s8], $0x5FFFF  }
0xad: {  	[dreg:$0x1] =	wrdreg $0xFFFFFFFF  }
0xae: {  	[dreg:$0x0] =	wrdreg $0x60  }
0xaf: {  	[dreg:$0x2] =	wrdreg s18  }
0xb0: {  	[dreg:$0x3] =	wrdreg s2  }
0xb1: {  	[dreg:$0x4] =	wrdreg s24  }
0xb2: {  	[dreg:$0x5] =	wrdreg $0x9  }
0xb3: {  	_ =	task.clear_ibuf [dreg:s8], $0x6FFFF;
	_ =	strace $0x90000046  }
0xb4: {  	s29 =	simm.s32 $0x9;
	_ =	strace $0x80000048  }
0xb5: {  	_ =	swait.ge [sflag:s29], $0x1  }
0xb6: {  	[sflag:s29] =	ssyncadd.s32 $0xFFFFFFFF  }
0xb7: {  	_ =	strace $0x90000048  }
0xb8: {  	_ =	sfence  }
0xb9: {  	s30 =	sld [smem:$0x0];
	_ =	sdelay $0x2  }
0xba: {  	s31 =	sshll.u32 s1, $0xD;
	s1 =	sshrl.u32 s1, $0x2  }
0xbb: {  	s3 =	sand.u32 $0x4000, s31;
	s1 =	sadd.s32 s1, s30  }
0xbc: {  	s0 =	sor.u32 s3, s0;
	s1 =	sshll.u32 s1, $0x11  }
0xbd: {  	s0 =	sor.u32 s1, s0  }
0xbe: {  	s0 =	sadd.s32 $0x8F2B, s0  }
0xbf: {  	[sflag:s0] =	ssyncadd.remote.s32 $0x1  }
0xc0: {  	_ =	sfence.sel $0xFFFF  }
0xc1: {  	[dreg:$0x0] =	wrdreg $0xFFFFFFFF;
	(pc) =	sbr.abs _section_cstart, $3  }
0xc2: {  	[dreg:$0x1] =	wrdreg $0xFFFFFFFF  }
0xc3: {  	_ =	task.clear_ibuf [dreg:s8], $0x2FFFF;
	_ =	strace $0x9FFFFFFF  }
0xc4: {  	(tm) =	ssettm $0x7FFFFFFF  }
0xc5: {  	_ =	shalt  }
tec
execute0_lowered:
.L_overlay_start_1:
0x0: {  	(tag) =	ssettag $0x1  }
0x1: {  	s1 =	rddreg [dreg:$0x0]  }
0x2: {  	s2 =	rddreg [dreg:$0x1]  }
0x3: {  	s9 =	rddreg [dreg:$0x2]  }
0x4: {  	s0 =	rddreg [dreg:$0x3];
	s4 =	simm.s32 $0x0;
	s5 =	srdreg.scid  }
0x5: {  	s3 =	stileid.u32;
	s11 =	simm.s32 $0x80;
	s12 =	simm.s32 $0x400  }
0x6: {  	s13 =	simm.s32 $0x18700;
	s14 =	simm.s32 $0x3;
	s15 =	simm.s32 $0x1C700  }
0x7: {  	s16 =	simm.s32 $0x1D700;
	s17 =	simm.s32 $0x1;
	s18 =	simm.s32 $0x2  }
0x8: {  	s19 =	simm.s32 $0x0;
	[smem:$0x7FF] =	sst s4;
	s6 =	sand.u32 $0x1, s5  }
0x9: {  	s8 =	sshll.u32 s3, $0x1;
	s5 =	sadd.s32 $0x600, s9;
	s7 =	ssub.s32 $0x2, s6  }
0xa: {  	_ =	strace $0x80000047;
	s6 =	sor.u32 s6, s8;
	s10 =	sshrl.u32 s7, $0x1  }
0xb: {  	s8 =	sadd.s32 $0x2600, s9;
	s6 =	smul.u32 $0x1A, s6;
	s10 =	ssub.s32 s7, s10  }
0xc: {  	s7 =	sadd.s32 $0x1600, s9;
	s9 =	sadd.s32 $0x3600, s9;
	s10 =	smax.u32 s10, $0x1  }
.LBB2_1:
0xd: {  	s20 =	simm.s32 $0x0  }
.LBB2_2:
0xe: {  	s22 =	sadd.s32 s6, s20  }
0xf: {  	p0 =	seq.s32 s20, $0x0;
	s21 =	sand.u32 $0x1F, s22  }
0x10: {  	p1 =	sne.s32 @!p0 s21, $0x0  }
0x11: {  	p1 =	por p0, !p1  }
0x12: {  	s21 =	sshrl.u32 @p1 s22, $0x1  }
0x13: {  	s23 =	sshll.u32 @p1 s22, $0x6;
	s21 =	sand.u32 @p1 $0x70, s21  }
0x14: {  	s23 =	sand.u32 @p1 $0xFFFC000, s23;
	s21 =	sadd.s32 @p1 s2, s21  }
0x15: {  	s21 =	sadd.s32 @p1 s23, s21  }
0x16: {  	[tilespmem:s13], [sflag:$0x3] =	stream.strided.gather @p1 [hbm4b:s21+s11], $0x4000, s12, s11, $0x38;
	[tilespmem:$0x1E700] =	vst v63  }
0x17: {  	s21 =	sshrl.u32 s22, $0x3  }
0x18: {  	s22 =	sshll.u32 s22, $0x7;
	s30 =	smul.u32 $0xC3800, s21  }
0x19: {  	s22 =	sand.u32 $0x380, s22  }
0x1a: {  	_ =	swait.ge @p1 [sflag:s14], $0x4000;
	s23 =	sor.u32 s22, s30  }
0x1b: {  	[sflag:s14] =	ssyncset.done @p1 $0x0;
	s23 =	sshrl.u32 s23, $0x3  }
0x1c: {  	[sflag:s14] =	ssyncadd.s32 @p1 $0xFFFFC000;
	s23 =	sadd.s32 s1, s23  }
0x1d: {  	[tilespmem:s4], [sflag:$0x3] =	stream.strided.gather [hbm4b:s23+s11], $0x18700, s12, s11, $0x38;
	[tilespmem:$0x1E700] =	vst v63  }
0x1e: {  	_ =	swait.ge [sflag:s14], $0x18700  }
0x1f: {  	[sflag:s14] =	ssyncset.done $0x0  }
0x20: {  	s23 =	simm.s32 @!p0 $0x1;
	[sflag:s14] =	ssyncadd.s32 $0xFFFE7900  }
0x21: {  	_ =	swait.ge @!p0 [sflag:s23], $0x1000  }
0x22: {  	[sflag:s23] =	ssyncset.done @!p0 $0x0  }
0x23: {  	s31 =	simm.s32 $0x18780;
	[sflag:s23] =	ssyncadd.s32 @!p0 $0xFFFFF000  }
0x24: {  	v0 =	vld [tilespmem:s31+$0x70]  }
0x25: {  	v1 =	vld [tilespmem:s31+$0xFFFFFF90]  }
0x26: {  	v2 =	vld [tilespmem:s31+$0xFFFFFFA0]  }
0x27: {  	v3 =	vld [tilespmem:s31+$0xFFFFFFB0]  }
0x28: {  	v4 =	vld [tilespmem:s31+$0xFFFFFFC0]  }
0x29: {  	v5 =	vld [tilespmem:s31+$0xFFFFFFD0]  }
0x2a: {  	v6 =	vld [tilespmem:s31+$0xFFFFFFE0]  }
0x2b: {  	v7 =	vld [tilespmem:s31+$0xFFFFFFF0]  }
0x2c: {  	v8 =	vld [tilespmem:s31+$0x0]  }
0x2d: {  	v9 =	vld [tilespmem:s31+$0x10]  }
0x2e: {  	v10 =	vld [tilespmem:s31+$0x20]  }
0x2f: {  	v11 =	vld [tilespmem:s31+$0x30]  }
0x30: {  	v12 =	vld [tilespmem:s31+$0x40]  }
0x31: {  	v13 =	vld [tilespmem:s31+$0x50]  }
0x32: {  	v14 =	vld [tilespmem:s31+$0x60]  }
0x33: {  	v15 =	vld [tilespmem:s31+$0xFFFFFF80]  }
0x34: {  	v0 =	vld.idx.msk [tilespmem:v0+s4+$0x0], $0xffff  }
0x35: {  	v1 =	vld.idx.msk [tilespmem:v1+s4+$0x0], $0xffff  }
0x36: {  	v2 =	vld.idx.msk [tilespmem:v2+s4+$0x0], $0xffff  }
0x37: {  	v3 =	vld.idx.msk [tilespmem:v3+s4+$0x0], $0xffff  }
0x38: {  	v4 =	vld.idx.msk [tilespmem:v4+s4+$0x0], $0xffff  }
0x39: {  	s23 =	simm.s32 $0x1C780;
	v5 =	vld.idx.msk [tilespmem:v5+s4+$0x0], $0xffff  }
0x3a: {  	v6 =	vld.idx.msk [tilespmem:v6+s4+$0x0], $0xffff;
	[tilespmem:s23+$0x70] =	vst v0  }
0x3b: {  	v7 =	vld.idx.msk [tilespmem:v7+s4+$0x0], $0xffff;
	[tilespmem:s23+$0xFFFFFF90] =	vst v1  }
0x3c: {  	v15 =	vld.idx.msk [tilespmem:v15+s4+$0x0], $0xffff;
	[tilespmem:s23+$0xFFFFFFA0] =	vst v2  }
0x3d: {  	v8 =	vld.idx.msk [tilespmem:v8+s4+$0x0], $0xffff;
	[tilespmem:s23+$0xFFFFFFB0] =	vst v3  }
0x3e: {  	[tilespmem:s23+$0xFFFFFFC0] =	vst v4;
	v0 =	vld.idx.msk [tilespmem:v9+s4+$0x0], $0xffff  }
0x3f: {  	[tilespmem:s23+$0xFFFFFFD0] =	vst v5;
	v1 =	vld.idx.msk [tilespmem:v10+s4+$0x0], $0xffff  }
0x40: {  	[tilespmem:s23+$0xFFFFFFE0] =	vst v6;
	v2 =	vld.idx.msk [tilespmem:v11+s4+$0x0], $0xffff  }
0x41: {  	[tilespmem:s23+$0xFFFFFFF0] =	vst v7;
	v3 =	vld.idx.msk [tilespmem:v12+s4+$0x0], $0xffff  }
0x42: {  	[tilespmem:s23+$0xFFFFFF80] =	vst v15;
	v4 =	vld.idx.msk [tilespmem:v13+s4+$0x0], $0xffff  }
0x43: {  	s24 =	simm.s32 $0x0;
	s25 =	simm.s32 $0x18880;
	[tilespmem:s23+$0x0] =	vst v8;
	v5 =	vld.idx.msk [tilespmem:v14+s4+$0x0], $0xffff  }
.LBB2_3:
0x44: {  	v6 =	vld [tilespmem:s25+$0x70];
	s24 =	sadd.s32 $0x100, s24;
	[tilespmem:s23+$0x10] =	vst v0  }
0x45: {  	v0 =	vld [tilespmem:s25+$0xFFFFFF90];
	p1 =	slt.u32 s24, $0xF00;
	[tilespmem:s23+$0x20] =	vst v1  }
0x46: {  	v1 =	vld [tilespmem:s25+$0xFFFFFFA0];
	[tilespmem:s23+$0x30] =	vst v2  }
0x47: {  	v2 =	vld [tilespmem:s25+$0xFFFFFFB0];
	[tilespmem:s23+$0x40] =	vst v3  }
0x48: {  	v3 =	vld [tilespmem:s25+$0xFFFFFFC0];
	[tilespmem:s23+$0x50] =	vst v4  }
0x49: {  	v4 =	vld [tilespmem:s25+$0xFFFFFFD0];
	[tilespmem:s23+$0x60] =	vst v5  }
0x4a: {  	v5 =	vld [tilespmem:s25+$0xFFFFFFE0]  }
0x4b: {  	v7 =	vld [tilespmem:s25+$0xFFFFFFF0]  }
0x4c: {  	v6 =	vld.idx.msk [tilespmem:v6+s4+$0x0], $0xffff  }
0x4d: {  	v8 =	vld [tilespmem:s25+$0x0]  }
0x4e: {  	v9 =	vld [tilespmem:s25+$0x10]  }
0x4f: {  	v10 =	vld [tilespmem:s25+$0x20]  }
0x50: {  	v11 =	vld [tilespmem:s25+$0x30]  }
0x51: {  	s23 =	sadd.s32 $0x100, s23;
	v12 =	vld [tilespmem:s25+$0x40]  }
0x52: {  	v13 =	vld [tilespmem:s25+$0x50];
	[tilespmem:s23+$0x70] =	vst v6  }
0x53: {  	v6 =	vld [tilespmem:s25+$0x60]  }
0x54: {  	v14 =	vld [tilespmem:s25+$0xFFFFFF80]  }
0x55: {  	v0 =	vld.idx.msk [tilespmem:v0+s4+$0x0], $0xffff  }
0x56: {  	v1 =	vld.idx.msk [tilespmem:v1+s4+$0x0], $0xffff  }
0x57: {  	v2 =	vld.idx.msk [tilespmem:v2+s4+$0x0], $0xffff  }
0x58: {  	v3 =	vld.idx.msk [tilespmem:v3+s4+$0x0], $0xffff  }
0x59: {  	v4 =	vld.idx.msk [tilespmem:v4+s4+$0x0], $0xffff  }
0x5a: {  	v5 =	vld.idx.msk [tilespmem:v5+s4+$0x0], $0xffff  }
0x5b: {  	[tilespmem:s23+$0xFFFFFF90] =	vst v0;
	v7 =	vld.idx.msk [tilespmem:v7+s4+$0x0], $0xffff  }
0x5c: {  	v14 =	vld.idx.msk [tilespmem:v14+s4+$0x0], $0xffff;
	[tilespmem:s23+$0xFFFFFFA0] =	vst v1  }
0x5d: {  	[tilespmem:s23+$0xFFFFFFB0] =	vst v2;
	v8 =	vld.idx.msk [tilespmem:v8+s4+$0x0], $0xffff  }
0x5e: {  	[tilespmem:s23+$0xFFFFFFC0] =	vst v3;
	v0 =	vld.idx.msk [tilespmem:v9+s4+$0x0], $0xffff  }
.Ltmp0:
0x5f: {  	[tilespmem:s23+$0xFFFFFFD0] =	vst v4;
	v1 =	vld.idx.msk [tilespmem:v10+s4+$0x0], $0xffff;
	(pc) =	sbr.rel @p1 .LBB2_3-.Ltmp0, $4  }
0x60: {  	[tilespmem:s23+$0xFFFFFFE0] =	vst v5;
	v2 =	vld.idx.msk [tilespmem:v11+s4+$0x0], $0xffff  }
0x61: {  	[tilespmem:s23+$0xFFFFFFF0] =	vst v7;
	v3 =	vld.idx.msk [tilespmem:v12+s4+$0x0], $0xffff  }
0x62: {  	[tilespmem:s23+$0xFFFFFF80] =	vst v14;
	v4 =	vld.idx.msk [tilespmem:v13+s4+$0x0], $0xffff  }
0x63: {  	s25 =	sadd.s32 $0x100, s25;
	[tilespmem:s23+$0x0] =	vst v8;
	v5 =	vld.idx.msk [tilespmem:v6+s4+$0x0], $0xffff  }
0x64: {  	[tilespmem:s23+$0x10] =	vst v0  }
0x65: {  	[tilespmem:s23+$0x20] =	vst v1  }
0x66: {  	s21 =	sshll.u32 s21, $0x11;
	[tilespmem:s23+$0x30] =	vst v2  }
0x67: {  	s21 =	sor.u32 s22, s21;
	[tilespmem:s23+$0x40] =	vst v3  }
0x68: {  	s21 =	sshrl.u32 s21, $0x3;
	[tilespmem:s23+$0x50] =	vst v4  }
0x69: {  	s22 =	simm.s32 @!p0 $0x2;
	s30 =	sadd.s32 s5, s21;
	[tilespmem:s23+$0x60] =	vst v5  }
0x6a: {  	[hbm4b:s30+s11] =	stream.strided.scatter [tilespmem:s15], [sflag:$0x1], $0x1000, s12, s11, $0x38;
	[tilespmem:$0x1E700] =	vst v63  }
0x6b: {  	_ =	swait.ge @!p0 [sflag:s22], $0x1000  }
0x6c: {  	[sflag:s22] =	ssyncset.done @!p0 $0x0  }
0x6d: {  	s31 =	simm.s32 $0x197F0;
	[sflag:s22] =	ssyncadd.s32 @!p0 $0xFFFFF000  }
0x6e: {  	v0 =	vld [tilespmem:s31+$0x0]  }
0x6f: {  	v1 =	vld [tilespmem:s31+$0xFFFFFF20]  }
0x70: {  	v2 =	vld [tilespmem:s31+$0xFFFFFF30]  }
0x71: {  	v3 =	vld [tilespmem:s31+$0xFFFFFF40]  }
0x72: {  	v4 =	vld [tilespmem:s31+$0xFFFFFF50]  }
0x73: {  	v5 =	vld [tilespmem:s31+$0xFFFFFF60]  }
0x74: {  	v6 =	vld [tilespmem:s31+$0xFFFFFF70]  }
0x75: {  	v7 =	vld [tilespmem:s31+$0xFFFFFF80]  }
0x76: {  	v8 =	vld [tilespmem:s31+$0xFFFFFF90]  }
0x77: {  	v9 =	vld [tilespmem:s31+$0xFFFFFFA0]  }
0x78: {  	v10 =	vld [tilespmem:s31+$0xFFFFFFB0]  }
0x79: {  	v11 =	vld [tilespmem:s31+$0xFFFFFFC0]  }
0x7a: {  	v12 =	vld [tilespmem:s31+$0xFFFFFFD0]  }
0x7b: {  	v13 =	vld [tilespmem:s31+$0xFFFFFFE0]  }
0x7c: {  	v14 =	vld [tilespmem:s31+$0xFFFFFFF0]  }
0x7d: {  	v15 =	vld [tilespmem:s31+$0xFFFFFF10]  }
0x7e: {  	v0 =	vld.idx.msk [tilespmem:v0+s4+$0x0], $0xffff  }
0x7f: {  	v1 =	vld.idx.msk [tilespmem:v1+s4+$0x0], $0xffff  }
0x80: {  	v2 =	vld.idx.msk [tilespmem:v2+s4+$0x0], $0xffff  }
0x81: {  	v3 =	vld.idx.msk [tilespmem:v3+s4+$0x0], $0xffff  }
0x82: {  	v4 =	vld.idx.msk [tilespmem:v4+s4+$0x0], $0xffff  }
0x83: {  	s22 =	simm.s32 $0x1D780;
	v5 =	vld.idx.msk [tilespmem:v5+s4+$0x0], $0xffff  }
0x84: {  	v6 =	vld.idx.msk [tilespmem:v6+s4+$0x0], $0xffff;
	[tilespmem:s22+$0x70] =	vst v0  }
0x85: {  	v7 =	vld.idx.msk [tilespmem:v7+s4+$0x0], $0xffff;
	[tilespmem:s22+$0xFFFFFF90] =	vst v1  }
0x86: {  	v15 =	vld.idx.msk [tilespmem:v15+s4+$0x0], $0xffff;
	[tilespmem:s22+$0xFFFFFFA0] =	vst v2  }
0x87: {  	v8 =	vld.idx.msk [tilespmem:v8+s4+$0x0], $0xffff;
	[tilespmem:s22+$0xFFFFFFB0] =	vst v3  }
0x88: {  	[tilespmem:s22+$0xFFFFFFC0] =	vst v4;
	v0 =	vld.idx.msk [tilespmem:v9+s4+$0x0], $0xffff  }
0x89: {  	[tilespmem:s22+$0xFFFFFFD0] =	vst v5;
	v1 =	vld.idx.msk [tilespmem:v10+s4+$0x0], $0xffff  }
0x8a: {  	[tilespmem:s22+$0xFFFFFFE0] =	vst v6;
	v2 =	vld.idx.msk [tilespmem:v11+s4+$0x0], $0xffff  }
0x8b: {  	[tilespmem:s22+$0xFFFFFFF0] =	vst v7;
	v3 =	vld.idx.msk [tilespmem:v12+s4+$0x0], $0xffff  }
0x8c: {  	[tilespmem:s22+$0xFFFFFF80] =	vst v15;
	v4 =	vld.idx.msk [tilespmem:v13+s4+$0x0], $0xffff  }
0x8d: {  	s24 =	simm.s32 $0x198F0;
	s23 =	simm.s32 $0x0;
	[tilespmem:s22+$0x0] =	vst v8;
	v5 =	vld.idx.msk [tilespmem:v14+s4+$0x0], $0xffff  }
.LBB2_5:
0x8e: {  	v6 =	vld [tilespmem:s24+$0x0];
	s23 =	sadd.s32 $0x100, s23;
	[tilespmem:s22+$0x10] =	vst v0  }
0x8f: {  	v0 =	vld [tilespmem:s24+$0xFFFFFF20];
	p0 =	slt.u32 s23, $0xF00;
	[tilespmem:s22+$0x20] =	vst v1  }
0x90: {  	v1 =	vld [tilespmem:s24+$0xFFFFFF30];
	[tilespmem:s22+$0x30] =	vst v2  }
0x91: {  	v2 =	vld [tilespmem:s24+$0xFFFFFF40];
	[tilespmem:s22+$0x40] =	vst v3  }
0x92: {  	v3 =	vld [tilespmem:s24+$0xFFFFFF50];
	[tilespmem:s22+$0x50] =	vst v4  }
0x93: {  	v4 =	vld [tilespmem:s24+$0xFFFFFF60];
	[tilespmem:s22+$0x60] =	vst v5  }
0x94: {  	v5 =	vld [tilespmem:s24+$0xFFFFFF70]  }
0x95: {  	v7 =	vld [tilespmem:s24+$0xFFFFFF80]  }
0x96: {  	v6 =	vld.idx.msk [tilespmem:v6+s4+$0x0], $0xffff  }
0x97: {  	v8 =	vld [tilespmem:s24+$0xFFFFFF90]  }
0x98: {  	v9 =	vld [tilespmem:s24+$0xFFFFFFA0]  }
0x99: {  	v10 =	vld [tilespmem:s24+$0xFFFFFFB0]  }
0x9a: {  	v11 =	vld [tilespmem:s24+$0xFFFFFFC0]  }
0x9b: {  	s22 =	sadd.s32 $0x100, s22;
	v12 =	vld [tilespmem:s24+$0xFFFFFFD0]  }
0x9c: {  	v13 =	vld [tilespmem:s24+$0xFFFFFFE0];
	[tilespmem:s22+$0x70] =	vst v6  }
0x9d: {  	v6 =	vld [tilespmem:s24+$0xFFFFFFF0]  }
0x9e: {  	v14 =	vld [tilespmem:s24+$0xFFFFFF10]  }
0x9f: {  	v0 =	vld.idx.msk [tilespmem:v0+s4+$0x0], $0xffff  }
0xa0: {  	v1 =	vld.idx.msk [tilespmem:v1+s4+$0x0], $0xffff  }
0xa1: {  	v2 =	vld.idx.msk [tilespmem:v2+s4+$0x0], $0xffff  }
0xa2: {  	v3 =	vld.idx.msk [tilespmem:v3+s4+$0x0], $0xffff  }
0xa3: {  	v4 =	vld.idx.msk [tilespmem:v4+s4+$0x0], $0xffff  }
0xa4: {  	v5 =	vld.idx.msk [tilespmem:v5+s4+$0x0], $0xffff  }
0xa5: {  	[tilespmem:s22+$0xFFFFFF90] =	vst v0;
	v7 =	vld.idx.msk [tilespmem:v7+s4+$0x0], $0xffff  }
0xa6: {  	v14 =	vld.idx.msk [tilespmem:v14+s4+$0x0], $0xffff;
	[tilespmem:s22+$0xFFFFFFA0] =	vst v1  }
0xa7: {  	[tilespmem:s22+$0xFFFFFFB0] =	vst v2;
	v8 =	vld.idx.msk [tilespmem:v8+s4+$0x0], $0xffff  }
0xa8: {  	[tilespmem:s22+$0xFFFFFFC0] =	vst v3;
	v0 =	vld.idx.msk [tilespmem:v9+s4+$0x0], $0xffff  }
.Ltmp1:
0xa9: {  	[tilespmem:s22+$0xFFFFFFD0] =	vst v4;
	v1 =	vld.idx.msk [tilespmem:v10+s4+$0x0], $0xffff;
	(pc) =	sbr.rel @p0 .LBB2_5-.Ltmp1, $4  }
0xaa: {  	[tilespmem:s22+$0xFFFFFFE0] =	vst v5;
	v2 =	vld.idx.msk [tilespmem:v11+s4+$0x0], $0xffff  }
0xab: {  	[tilespmem:s22+$0xFFFFFFF0] =	vst v7;
	v3 =	vld.idx.msk [tilespmem:v12+s4+$0x0], $0xffff  }
0xac: {  	[tilespmem:s22+$0xFFFFFF80] =	vst v14;
	v4 =	vld.idx.msk [tilespmem:v13+s4+$0x0], $0xffff  }
0xad: {  	s24 =	sadd.s32 $0x100, s24;
	[tilespmem:s22+$0x0] =	vst v8;
	v5 =	vld.idx.msk [tilespmem:v6+s4+$0x0], $0xffff  }
0xae: {  	[tilespmem:s22+$0x10] =	vst v0  }
0xaf: {  	[tilespmem:s22+$0x20] =	vst v1  }
0xb0: {  	[tilespmem:s22+$0x30] =	vst v2  }
0xb1: {  	[tilespmem:s22+$0x40] =	vst v3  }
0xb2: {  	[tilespmem:s22+$0x50] =	vst v4  }
0xb3: {  	s30 =	sadd.s32 s21, s7;
	[tilespmem:s22+$0x60] =	vst v5  }
0xb4: {  	[hbm4b:s30+s11] =	stream.strided.scatter [tilespmem:s16], [sflag:$0x2], $0x1000, s12, s11, $0x38;
	[tilespmem:$0x1E700] =	vst v63  }
0xb5: {  	_ =	swait.ge [sflag:s17], $0x1000  }
0xb6: {  	[sflag:s17] =	ssyncset.done $0x0  }
0xb7: {  	s31 =	simm.s32 $0x1A7F0;
	[sflag:s17] =	ssyncadd.s32 $0xFFFFF000  }
0xb8: {  	v0 =	vld [tilespmem:s31+$0x0]  }
0xb9: {  	v1 =	vld [tilespmem:s31+$0xFFFFFF20]  }
0xba: {  	v2 =	vld [tilespmem:s31+$0xFFFFFF30]  }
0xbb: {  	v3 =	vld [tilespmem:s31+$0xFFFFFF40]  }
0xbc: {  	v4 =	vld [tilespmem:s31+$0xFFFFFF50]  }
0xbd: {  	v5 =	vld [tilespmem:s31+$0xFFFFFF60]  }
0xbe: {  	v6 =	vld [tilespmem:s31+$0xFFFFFF70]  }
0xbf: {  	v7 =	vld [tilespmem:s31+$0xFFFFFF80]  }
0xc0: {  	v8 =	vld [tilespmem:s31+$0xFFFFFF90]  }
0xc1: {  	v9 =	vld [tilespmem:s31+$0xFFFFFFA0]  }
0xc2: {  	v10 =	vld [tilespmem:s31+$0xFFFFFFB0]  }
0xc3: {  	v11 =	vld [tilespmem:s31+$0xFFFFFFC0]  }
0xc4: {  	v12 =	vld [tilespmem:s31+$0xFFFFFFD0]  }
0xc5: {  	v13 =	vld [tilespmem:s31+$0xFFFFFFE0]  }
0xc6: {  	v14 =	vld [tilespmem:s31+$0xFFFFFFF0]  }
0xc7: {  	v15 =	vld [tilespmem:s31+$0xFFFFFF10]  }
0xc8: {  	v0 =	vld.idx.msk [tilespmem:v0+s4+$0x0], $0xffff  }
0xc9: {  	v1 =	vld.idx.msk [tilespmem:v1+s4+$0x0], $0xffff  }
0xca: {  	v2 =	vld.idx.msk [tilespmem:v2+s4+$0x0], $0xffff  }
0xcb: {  	v3 =	vld.idx.msk [tilespmem:v3+s4+$0x0], $0xffff  }
0xcc: {  	v4 =	vld.idx.msk [tilespmem:v4+s4+$0x0], $0xffff  }
0xcd: {  	s22 =	simm.s32 $0x1C780;
	v5 =	vld.idx.msk [tilespmem:v5+s4+$0x0], $0xffff  }
0xce: {  	v6 =	vld.idx.msk [tilespmem:v6+s4+$0x0], $0xffff;
	[tilespmem:s22+$0x70] =	vst v0  }
0xcf: {  	v7 =	vld.idx.msk [tilespmem:v7+s4+$0x0], $0xffff;
	[tilespmem:s22+$0xFFFFFF90] =	vst v1  }
0xd0: {  	v15 =	vld.idx.msk [tilespmem:v15+s4+$0x0], $0xffff;
	[tilespmem:s22+$0xFFFFFFA0] =	vst v2  }
0xd1: {  	v8 =	vld.idx.msk [tilespmem:v8+s4+$0x0], $0xffff;
	[tilespmem:s22+$0xFFFFFFB0] =	vst v3  }
0xd2: {  	[tilespmem:s22+$0xFFFFFFC0] =	vst v4;
	v0 =	vld.idx.msk [tilespmem:v9+s4+$0x0], $0xffff  }
0xd3: {  	[tilespmem:s22+$0xFFFFFFD0] =	vst v5;
	v1 =	vld.idx.msk [tilespmem:v10+s4+$0x0], $0xffff  }
0xd4: {  	[tilespmem:s22+$0xFFFFFFE0] =	vst v6;
	v2 =	vld.idx.msk [tilespmem:v11+s4+$0x0], $0xffff  }
0xd5: {  	[tilespmem:s22+$0xFFFFFFF0] =	vst v7;
	v3 =	vld.idx.msk [tilespmem:v12+s4+$0x0], $0xffff  }
0xd6: {  	[tilespmem:s22+$0xFFFFFF80] =	vst v15;
	v4 =	vld.idx.msk [tilespmem:v13+s4+$0x0], $0xffff  }
0xd7: {  	s23 =	sadd.s32 s21, s8;
	s24 =	simm.s32 $0x0;
	s25 =	simm.s32 $0x1A8F0;
	[tilespmem:s22+$0x0] =	vst v8;
	v5 =	vld.idx.msk [tilespmem:v14+s4+$0x0], $0xffff  }
.LBB2_7:
0xd8: {  	v6 =	vld [tilespmem:s25+$0x0];
	s24 =	sadd.s32 $0x100, s24;
	[tilespmem:s22+$0x10] =	vst v0  }
0xd9: {  	v0 =	vld [tilespmem:s25+$0xFFFFFF20];
	p0 =	slt.u32 s24, $0xF00;
	[tilespmem:s22+$0x20] =	vst v1  }
0xda: {  	v1 =	vld [tilespmem:s25+$0xFFFFFF30];
	[tilespmem:s22+$0x30] =	vst v2  }
0xdb: {  	v2 =	vld [tilespmem:s25+$0xFFFFFF40];
	[tilespmem:s22+$0x40] =	vst v3  }
0xdc: {  	v3 =	vld [tilespmem:s25+$0xFFFFFF50];
	[tilespmem:s22+$0x50] =	vst v4  }
0xdd: {  	v4 =	vld [tilespmem:s25+$0xFFFFFF60];
	[tilespmem:s22+$0x60] =	vst v5  }
0xde: {  	v5 =	vld [tilespmem:s25+$0xFFFFFF70]  }
0xdf: {  	v7 =	vld [tilespmem:s25+$0xFFFFFF80]  }
0xe0: {  	v6 =	vld.idx.msk [tilespmem:v6+s4+$0x0], $0xffff  }
0xe1: {  	v8 =	vld [tilespmem:s25+$0xFFFFFF90]  }
0xe2: {  	v9 =	vld [tilespmem:s25+$0xFFFFFFA0]  }
0xe3: {  	v10 =	vld [tilespmem:s25+$0xFFFFFFB0]  }
0xe4: {  	v11 =	vld [tilespmem:s25+$0xFFFFFFC0]  }
0xe5: {  	s22 =	sadd.s32 $0x100, s22;
	v12 =	vld [tilespmem:s25+$0xFFFFFFD0]  }
0xe6: {  	v13 =	vld [tilespmem:s25+$0xFFFFFFE0];
	[tilespmem:s22+$0x70] =	vst v6  }
0xe7: {  	v6 =	vld [tilespmem:s25+$0xFFFFFFF0]  }
0xe8: {  	v14 =	vld [tilespmem:s25+$0xFFFFFF10]  }
0xe9: {  	v0 =	vld.idx.msk [tilespmem:v0+s4+$0x0], $0xffff  }
0xea: {  	v1 =	vld.idx.msk [tilespmem:v1+s4+$0x0], $0xffff  }
0xeb: {  	v2 =	vld.idx.msk [tilespmem:v2+s4+$0x0], $0xffff  }
0xec: {  	v3 =	vld.idx.msk [tilespmem:v3+s4+$0x0], $0xffff  }
0xed: {  	v4 =	vld.idx.msk [tilespmem:v4+s4+$0x0], $0xffff  }
0xee: {  	v5 =	vld.idx.msk [tilespmem:v5+s4+$0x0], $0xffff  }
0xef: {  	[tilespmem:s22+$0xFFFFFF90] =	vst v0;
	v7 =	vld.idx.msk [tilespmem:v7+s4+$0x0], $0xffff  }
0xf0: {  	v14 =	vld.idx.msk [tilespmem:v14+s4+$0x0], $0xffff;
	[tilespmem:s22+$0xFFFFFFA0] =	vst v1  }
0xf1: {  	[tilespmem:s22+$0xFFFFFFB0] =	vst v2;
	v8 =	vld.idx.msk [tilespmem:v8+s4+$0x0], $0xffff  }
0xf2: {  	[tilespmem:s22+$0xFFFFFFC0] =	vst v3;
	v0 =	vld.idx.msk [tilespmem:v9+s4+$0x0], $0xffff  }
.Ltmp2:
0xf3: {  	[tilespmem:s22+$0xFFFFFFD0] =	vst v4;
	v1 =	vld.idx.msk [tilespmem:v10+s4+$0x0], $0xffff;
	(pc) =	sbr.rel @p0 .LBB2_7-.Ltmp2, $4  }
0xf4: {  	[tilespmem:s22+$0xFFFFFFE0] =	vst v5;
	v2 =	vld.idx.msk [tilespmem:v11+s4+$0x0], $0xffff  }
0xf5: {  	[tilespmem:s22+$0xFFFFFFF0] =	vst v7;
	v3 =	vld.idx.msk [tilespmem:v12+s4+$0x0], $0xffff  }
0xf6: {  	[tilespmem:s22+$0xFFFFFF80] =	vst v14;
	v4 =	vld.idx.msk [tilespmem:v13+s4+$0x0], $0xffff  }
0xf7: {  	s25 =	sadd.s32 $0x100, s25;
	[tilespmem:s22+$0x0] =	vst v8;
	v5 =	vld.idx.msk [tilespmem:v6+s4+$0x0], $0xffff  }
0xf8: {  	[tilespmem:s22+$0x10] =	vst v0  }
0xf9: {  	[tilespmem:s22+$0x20] =	vst v1  }
0xfa: {  	[tilespmem:s22+$0x30] =	vst v2  }
0xfb: {  	[tilespmem:s22+$0x40] =	vst v3  }
0xfc: {  	[tilespmem:s22+$0x50] =	vst v4  }
0xfd: {  	[tilespmem:s22+$0x60] =	vst v5  }
0xfe: {  	[hbm4b:s23+s11] =	stream.strided.scatter [tilespmem:s15], [sflag:$0x1], $0x1000, s12, s11, $0x38;
	[tilespmem:$0x1E700] =	vst v63  }
0xff: {  	_ =	swait.ge [sflag:s18], $0x1000  }
0x100: {  	[sflag:s18] =	ssyncset.done $0x0  }
0x101: {  	s31 =	simm.s32 $0x1B7F0;
	[sflag:s18] =	ssyncadd.s32 $0xFFFFF000  }
0x102: {  	v0 =	vld [tilespmem:s31+$0x0]  }
0x103: {  	v1 =	vld [tilespmem:s31+$0xFFFFFF20]  }
0x104: {  	v2 =	vld [tilespmem:s31+$0xFFFFFF30]  }
0x105: {  	v3 =	vld [tilespmem:s31+$0xFFFFFF40]  }
0x106: {  	v4 =	vld [tilespmem:s31+$0xFFFFFF50]  }
0x107: {  	v5 =	vld [tilespmem:s31+$0xFFFFFF60]  }
0x108: {  	v6 =	vld [tilespmem:s31+$0xFFFFFF70]  }
0x109: {  	v7 =	vld [tilespmem:s31+$0xFFFFFF80]  }
0x10a: {  	v8 =	vld [tilespmem:s31+$0xFFFFFF90]  }
0x10b: {  	v9 =	vld [tilespmem:s31+$0xFFFFFFA0]  }
0x10c: {  	v10 =	vld [tilespmem:s31+$0xFFFFFFB0]  }
0x10d: {  	v11 =	vld [tilespmem:s31+$0xFFFFFFC0]  }
0x10e: {  	v12 =	vld [tilespmem:s31+$0xFFFFFFD0]  }
0x10f: {  	v13 =	vld [tilespmem:s31+$0xFFFFFFE0]  }
0x110: {  	v14 =	vld [tilespmem:s31+$0xFFFFFFF0]  }
0x111: {  	v15 =	vld [tilespmem:s31+$0xFFFFFF10]  }
0x112: {  	v0 =	vld.idx.msk [tilespmem:v0+s4+$0x0], $0xffff  }
0x113: {  	v1 =	vld.idx.msk [tilespmem:v1+s4+$0x0], $0xffff  }
0x114: {  	v2 =	vld.idx.msk [tilespmem:v2+s4+$0x0], $0xffff  }
0x115: {  	v3 =	vld.idx.msk [tilespmem:v3+s4+$0x0], $0xffff  }
0x116: {  	v4 =	vld.idx.msk [tilespmem:v4+s4+$0x0], $0xffff  }
0x117: {  	s22 =	simm.s32 $0x1D780;
	v5 =	vld.idx.msk [tilespmem:v5+s4+$0x0], $0xffff  }
0x118: {  	v6 =	vld.idx.msk [tilespmem:v6+s4+$0x0], $0xffff;
	[tilespmem:s22+$0x70] =	vst v0  }
0x119: {  	v7 =	vld.idx.msk [tilespmem:v7+s4+$0x0], $0xffff;
	[tilespmem:s22+$0xFFFFFF90] =	vst v1  }
0x11a: {  	v15 =	vld.idx.msk [tilespmem:v15+s4+$0x0], $0xffff;
	[tilespmem:s22+$0xFFFFFFA0] =	vst v2  }
0x11b: {  	v8 =	vld.idx.msk [tilespmem:v8+s4+$0x0], $0xffff;
	[tilespmem:s22+$0xFFFFFFB0] =	vst v3  }
0x11c: {  	[tilespmem:s22+$0xFFFFFFC0] =	vst v4;
	v0 =	vld.idx.msk [tilespmem:v9+s4+$0x0], $0xffff  }
0x11d: {  	[tilespmem:s22+$0xFFFFFFD0] =	vst v5;
	v1 =	vld.idx.msk [tilespmem:v10+s4+$0x0], $0xffff  }
0x11e: {  	[tilespmem:s22+$0xFFFFFFE0] =	vst v6;
	v2 =	vld.idx.msk [tilespmem:v11+s4+$0x0], $0xffff  }
0x11f: {  	[tilespmem:s22+$0xFFFFFFF0] =	vst v7;
	v3 =	vld.idx.msk [tilespmem:v12+s4+$0x0], $0xffff  }
0x120: {  	[tilespmem:s22+$0xFFFFFF80] =	vst v15;
	v4 =	vld.idx.msk [tilespmem:v13+s4+$0x0], $0xffff  }
0x121: {  	s21 =	sadd.s32 s21, s9;
	s24 =	simm.s32 $0x1B8F0;
	s23 =	simm.s32 $0x0;
	[tilespmem:s22+$0x0] =	vst v8;
	v5 =	vld.idx.msk [tilespmem:v14+s4+$0x0], $0xffff  }
.LBB2_9:
0x122: {  	v6 =	vld [tilespmem:s24+$0x0];
	s23 =	sadd.s32 $0x100, s23;
	[tilespmem:s22+$0x10] =	vst v0  }
0x123: {  	v0 =	vld [tilespmem:s24+$0xFFFFFF20];
	p0 =	slt.u32 s23, $0xF00;
	[tilespmem:s22+$0x20] =	vst v1  }
0x124: {  	v1 =	vld [tilespmem:s24+$0xFFFFFF30];
	[tilespmem:s22+$0x30] =	vst v2  }
0x125: {  	v2 =	vld [tilespmem:s24+$0xFFFFFF40];
	[tilespmem:s22+$0x40] =	vst v3  }
0x126: {  	v3 =	vld [tilespmem:s24+$0xFFFFFF50];
	[tilespmem:s22+$0x50] =	vst v4  }
0x127: {  	v4 =	vld [tilespmem:s24+$0xFFFFFF60];
	[tilespmem:s22+$0x60] =	vst v5  }
0x128: {  	v5 =	vld [tilespmem:s24+$0xFFFFFF70]  }
0x129: {  	v7 =	vld [tilespmem:s24+$0xFFFFFF80]  }
0x12a: {  	v6 =	vld.idx.msk [tilespmem:v6+s4+$0x0], $0xffff  }
0x12b: {  	v8 =	vld [tilespmem:s24+$0xFFFFFF90]  }
0x12c: {  	v9 =	vld [tilespmem:s24+$0xFFFFFFA0]  }
0x12d: {  	v10 =	vld [tilespmem:s24+$0xFFFFFFB0]  }
0x12e: {  	v11 =	vld [tilespmem:s24+$0xFFFFFFC0]  }
0x12f: {  	s22 =	sadd.s32 $0x100, s22;
	v12 =	vld [tilespmem:s24+$0xFFFFFFD0]  }
0x130: {  	v13 =	vld [tilespmem:s24+$0xFFFFFFE0];
	[tilespmem:s22+$0x70] =	vst v6  }
0x131: {  	v6 =	vld [tilespmem:s24+$0xFFFFFFF0]  }
0x132: {  	v14 =	vld [tilespmem:s24+$0xFFFFFF10]  }
0x133: {  	v0 =	vld.idx.msk [tilespmem:v0+s4+$0x0], $0xffff  }
0x134: {  	v1 =	vld.idx.msk [tilespmem:v1+s4+$0x0], $0xffff  }
0x135: {  	v2 =	vld.idx.msk [tilespmem:v2+s4+$0x0], $0xffff  }
0x136: {  	v3 =	vld.idx.msk [tilespmem:v3+s4+$0x0], $0xffff  }
0x137: {  	v4 =	vld.idx.msk [tilespmem:v4+s4+$0x0], $0xffff  }
0x138: {  	v5 =	vld.idx.msk [tilespmem:v5+s4+$0x0], $0xffff  }
0x139: {  	[tilespmem:s22+$0xFFFFFF90] =	vst v0;
	v7 =	vld.idx.msk [tilespmem:v7+s4+$0x0], $0xffff  }
0x13a: {  	v14 =	vld.idx.msk [tilespmem:v14+s4+$0x0], $0xffff;
	[tilespmem:s22+$0xFFFFFFA0] =	vst v1  }
0x13b: {  	[tilespmem:s22+$0xFFFFFFB0] =	vst v2;
	v8 =	vld.idx.msk [tilespmem:v8+s4+$0x0], $0xffff  }
0x13c: {  	[tilespmem:s22+$0xFFFFFFC0] =	vst v3;
	v0 =	vld.idx.msk [tilespmem:v9+s4+$0x0], $0xffff  }
.Ltmp3:
0x13d: {  	[tilespmem:s22+$0xFFFFFFD0] =	vst v4;
	v1 =	vld.idx.msk [tilespmem:v10+s4+$0x0], $0xffff;
	(pc) =	sbr.rel @p0 .LBB2_9-.Ltmp3, $4  }
0x13e: {  	[tilespmem:s22+$0xFFFFFFE0] =	vst v5;
	v2 =	vld.idx.msk [tilespmem:v11+s4+$0x0], $0xffff  }
0x13f: {  	[tilespmem:s22+$0xFFFFFFF0] =	vst v7;
	v3 =	vld.idx.msk [tilespmem:v12+s4+$0x0], $0xffff  }
0x140: {  	[tilespmem:s22+$0xFFFFFF80] =	vst v14;
	v4 =	vld.idx.msk [tilespmem:v13+s4+$0x0], $0xffff  }
0x141: {  	s24 =	sadd.s32 $0x100, s24;
	[tilespmem:s22+$0x0] =	vst v8;
	v5 =	vld.idx.msk [tilespmem:v6+s4+$0x0], $0xffff  }
0x142: {  	[tilespmem:s22+$0x10] =	vst v0;
	s20 =	sadd.s32 $0x1, s20  }
0x143: {  	[tilespmem:s22+$0x20] =	vst v1;
	p0 =	sne.s32 s20, $0x1A  }
.Ltmp4:
0x144: {  	[tilespmem:s22+$0x30] =	vst v2;
	(pc) =	sbr.rel @p0 .LBB2_2-.Ltmp4, $4  }
0x145: {  	[tilespmem:s22+$0x40] =	vst v3  }
0x146: {  	[tilespmem:s22+$0x50] =	vst v4  }
0x147: {  	[tilespmem:s22+$0x60] =	vst v5  }
0x148: {  	[hbm4b:s21+s11] =	stream.strided.scatter [tilespmem:s16], [sflag:$0x2], $0x1000, s12, s11, $0x38;
	[tilespmem:$0x1E700] =	vst v63  }
0x149: {  	s19 =	sadd.s32 $0x1, s19  }
0x14a: {  	_ =	swait.ge [sflag:s17], $0x1000;
	p0 =	sne.s32 s19, s10  }
.Ltmp5:
0x14b: {  	[sflag:s17] =	ssyncset.done $0x0;
	(pc) =	sbr.rel @p0 .LBB2_1-.Ltmp5, $4  }
0x14c: {  	[sflag:s17] =	ssyncadd.s32 $0xFFFFF000  }
0x14d: {  	_ =	swait.ge [sflag:s18], $0x1000  }
0x14e: {  	[sflag:s18] =	ssyncset.done $0x0  }
0x14f: {  	[sflag:s18] =	ssyncadd.s32 $0xFFFFF000  }
0x150: {  	_ =	sfence.sel $0x180000  }
0x151: {  	[bflag:$0x0] =	sbarrier.arrive $0xFFFF  }
0x152: {  	p0 =	sne.s32 s3, $0x0;
	_ =	strace $0x90000047  }
0x153: {  	s0 =	sadd.s32 @!p0 $0x100000, s0;
	[bflag:$0x2] =	sbarrier.arrive $0xFFFF  }
0x154: {  	[sflag:s0] =	ssyncadd.tile.s32 @!p0 $0x1;
	_ =	shalt  }
.Lfunc_end2:
_tile_overlayer_lowered:
.L_overlay_start_2:
0x155: {  	(tag) =	ssettag $0x2  }
0x156: {  	s0 =	rddreg [dreg:$0x0];
	s2 =	stileid.u32  }
0x157: {  	s1 =	rddreg [dreg:$0x1];
	p0 =	sne.s32 s2, $0x0  }
0x158: {  	s3 =	rddreg [dreg:$0x2];
	[bflag:$0x3] =	sbarrier.arrive $0xFFFF;
	s2 =	simm.s32 @!p0 $0x1C03  }
0x159: {  	[timem:s3], [sflag:s2] =	dma.local @!p0 [hbm:s0], s1  }
0x15a: {  	s0 =	simm.s32 @!p0 $0x3  }
0x15b: {  	_ =	swait.ge @!p0 [sflag:s0], s1  }
0x15c: {  	s1 =	ssub.s32 @!p0 $0x0, s1;
	[sflag:s0] =	ssyncset.done @!p0 $0x0  }
0x15d: {  	[sflag:s0] =	ssyncadd.s32 @!p0 s1  }
0x15e: {  	[bflag:$0x3] =	sbarrier.arrive $0xFFFF  }
0x15f: {  	_ =	shalt  }

</sc_bundles>
